<compile_context>
chip_gen: v7x
topology: tpu7x:2x2x1
jax: 0.10.2.dev20260603
libtpu: 0.0.44.dev20260713+nightly
codegen_flags: <defaults>
</compile_context>

<pallas_src>
import functools

import jax
import jax.numpy as jnp
from jax import lax
from jax.experimental import pallas as pl
from jax.experimental.pallas import tpu as pltpu
from jax.experimental.pallas import tpu_sc as plsc

N = 10000
E = 320000
D = 128

NC = 2
NS = 16
NW = NC * NS
EPW = E // NW
CHUNK = 80
NCHUNK = EPW // CHUNK
NP = 10240
ROWS_PER_TILE = NP // NS


@functools.cache
def _make_sc_kernel(with_deg):
    NSLOT = 2
    LOOKAHEAD = 1
    out_type = [jax.ShapeDtypeStruct((NC * NP, D), jnp.float32)]
    scratch = [
        pltpu.VMEM_SHARED((NP, D), jnp.float32),
        pltpu.VMEM((EPW,), jnp.int32),
        pltpu.VMEM((EPW,), jnp.int32),
        [pltpu.VMEM((CHUNK, D), jnp.float32) for _ in range(NSLOT)],
        [pltpu.SemaphoreType.DMA for _ in range(NSLOT)],
        pltpu.VMEM((16, D), jnp.float32),
    ]
    if with_deg:
        out_type.append(jax.ShapeDtypeStruct((NC * NP,), jnp.float32))
        scratch += [
            pltpu.VMEM_SHARED((NP,), jnp.float32),
            pltpu.VMEM((EPW // 2 + 16,), jnp.float32),
            pltpu.VMEM((ROWS_PER_TILE,), jnp.float32),
        ]

    mesh = plsc.VectorSubcoreMesh(core_axis_name="c", subcore_axis_name="s",
                                  num_cores=NC, num_subcores=NS)

    def body(*refs):
        if with_deg:
            (x_hbm, src_hbm, dst_hbm, sum_hbm, deg_hbm,
             acc, src_all, dst_all, rows, sems, zbuf,
             dacc, ones_v, dzbuf) = refs
        else:
            (x_hbm, src_hbm, dst_hbm, sum_hbm,
             acc, src_all, dst_all, rows, sems, zbuf) = refs
        c = lax.axis_index("c")
        s = lax.axis_index("s")
        wid = c * NS + s

        pltpu.sync_copy(src_hbm.at[pl.ds(wid * EPW, EPW)], src_all)
        pltpu.sync_copy(dst_hbm.at[pl.ds(wid * EPW, EPW)], dst_all)

        for b in range(NSLOT):
            pltpu.async_copy(
                x_hbm.at[src_all.at[pl.ds(b * CHUNK, CHUNK)]],
                rows[b], sems[b])

        def zfill(i, carry):
            r = i // (D // 16)
            col = (i % (D // 16)) * 16
            zbuf[r, pl.ds(col, 16)] = jnp.zeros((16,), jnp.float32)
            return carry
        lax.fori_loop(0, 16 * (D // 16), zfill, 0)
        if with_deg:
            def ofill(i, carry):
                ones_v[pl.ds(i * 16, 16)] = jnp.ones((16,), jnp.float32)
                return carry
            lax.fori_loop(0, (EPW // 2 + 16) // 16, ofill, 0)

            def dzfill(i, carry):
                dzbuf[pl.ds(i * 16, 16)] = jnp.zeros((16,), jnp.float32)
                return carry
            lax.fori_loop(0, ROWS_PER_TILE // 16, dzfill, 0)

        row0 = s * ROWS_PER_TILE

        def zcopy(i, carry):
            pltpu.sync_copy(zbuf, acc.at[pl.ds(row0 + i * 16, 16)])
            return carry
        lax.fori_loop(0, ROWS_PER_TILE // 16, zcopy, 0)
        if with_deg:
            pltpu.sync_copy(dzbuf, dacc.at[pl.ds(row0, ROWS_PER_TILE)])
        plsc.subcore_barrier()

        if with_deg:
            half = EPW // 2
            for hh in range(2):
                pltpu.sync_copy(
                    ones_v.at[pl.ds(0, half)],
                    dacc.at[dst_all.at[pl.ds(hh * half, half)]],
                    add=True)

        dummy = x_hbm.at[pl.ds(0, CHUNK)]
        NGROUP = (NCHUNK + LOOKAHEAD + NSLOT - 1) // NSLOT

        def pipe_group(g, carry):
            for b in range(NSLOT):
                t = g * NSLOT + b

                @pl.when((t >= NSLOT) & (t < NCHUNK))
                def _fire():
                    pltpu.async_copy(
                        x_hbm.at[src_all.at[pl.ds(t * CHUNK, CHUNK)]],
                        rows[b], sems[b])

                cc = t - LOOKAHEAD
                jc = (b - LOOKAHEAD) % NSLOT

                @pl.when((cc >= 0) & (cc < NCHUNK))
                def _consume():
                    didx = dst_all.at[pl.ds(cc * CHUNK, CHUNK)]
                    pltpu.make_async_copy(dummy, rows[jc], sems[jc]).wait()
                    pltpu.sync_copy(rows[jc], acc.at[didx], add=True)
            return carry
        lax.fori_loop(0, NGROUP, pipe_group, 0)
        plsc.subcore_barrier()

        out0 = c * NP + s * ROWS_PER_TILE
        pltpu.sync_copy(acc.at[pl.ds(s * ROWS_PER_TILE, ROWS_PER_TILE)],
                        sum_hbm.at[pl.ds(out0, ROWS_PER_TILE)])
        if with_deg:
            pltpu.sync_copy(dacc.at[pl.ds(s * ROWS_PER_TILE, ROWS_PER_TILE)],
                            deg_hbm.at[pl.ds(out0, ROWS_PER_TILE)])

    return pl.kernel(body, out_type=tuple(out_type), mesh=mesh,
                     scratch_types=tuple(scratch))


BLK = 2048
NBLK = NP // BLK
_DN = (((1,), (1,)), ((), ()))


def _tc1_body(p0_ref, p1_ref, d0_ref, d1_ref, x_ref, wl_ref, bl_ref, wr_ref,
              hr_ref, s1_ref, s2_ref, a1, a2):
    i = pl.program_id(0)
    summed = p0_ref[...] + p1_ref[...]
    deg = jnp.maximum(d0_ref[...] + d1_ref[...], 1.0)
    mean = summed / deg
    out = (lax.dot_general(mean, wl_ref[...], _DN,
                           preferred_element_type=jnp.float32)
           + bl_ref[...]
           + lax.dot_general(x_ref[...], wr_ref[...], _DN,
                             preferred_element_type=jnp.float32))
    nrm = jnp.sqrt(jnp.sum(out * out, axis=1, keepdims=True))
    hr = jnp.maximum(out / jnp.maximum(nrm, 1e-12), 0.0)
    hr_ref[...] = hr
    rowid = i * BLK + lax.broadcasted_iota(jnp.int32, (BLK, 1), 0)
    hrm = jnp.where(rowid < N, hr, 0.0)
    bs1 = jnp.sum(hrm, axis=0, keepdims=True)
    bs2 = jnp.sum(hrm * hrm, axis=0, keepdims=True)

    @pl.when(i == 0)
    def _init():
        a1[...] = bs1
        a2[...] = bs2

    @pl.when(i > 0)
    def _accum():
        a1[...] += bs1
        a2[...] += bs2

    @pl.when(i == NBLK - 1)
    def _emit():
        s1_ref[...] = a1[...]
        s2_ref[...] = a2[...]


def _tc2_body(q0_ref, q1_ref, d0_ref, d1_ref, hr_ref, s1_ref, s2_ref,
              g_ref, be_ref, wl_ref, bl_ref, wr_ref, out_ref):
    mu = s1_ref[...] * (1.0 / N)
    var = s2_ref[...] * (1.0 / N) - mu * mu
    a = g_ref[...] * lax.rsqrt(var + 1e-5)
    bb = be_ref[...] - mu * a
    sumb = q0_ref[...] + q1_ref[...]
    degr = d0_ref[...] + d1_ref[...]
    deg = jnp.maximum(degr, 1.0)
    meanh = jnp.where(degr > 0.5, a * (sumb / deg) + bb, 0.0)
    h = a * hr_ref[...] + bb
    out = (lax.dot_general(meanh, wl_ref[...], _DN,
                           preferred_element_type=jnp.float32)
           + bl_ref[...]
           + lax.dot_general(h, wr_ref[...], _DN,
                             preferred_element_type=jnp.float32))
    nrm = jnp.sqrt(jnp.sum(out * out, axis=1, keepdims=True))
    out_ref[...] = out / jnp.maximum(nrm, 1e-12)


def _row_spec(nrow=BLK):
    return pl.BlockSpec((nrow, D), lambda i: (i, 0))


def _full_spec(shape):
    return pl.BlockSpec(shape, lambda i: tuple(0 for _ in shape))


def _tc1(sum2, d0, d1, x_p, w_l, b_l, w_r):
    return pl.pallas_call(
        _tc1_body,
        grid=(NBLK,),
        in_specs=[
            pl.BlockSpec((BLK, D), lambda i: (i, 0)),
            pl.BlockSpec((BLK, D), lambda i: (i + NBLK, 0)),
            pl.BlockSpec((BLK, 1), lambda i: (i, 0)),
            pl.BlockSpec((BLK, 1), lambda i: (i, 0)),
            pl.BlockSpec((BLK, D), lambda i: (i, 0)),
            _full_spec((D, D)),
            _full_spec((1, D)),
            _full_spec((D, D)),
        ],
        out_specs=[
            pl.BlockSpec((BLK, D), lambda i: (i, 0)),
            _full_spec((1, D)),
            _full_spec((1, D)),
        ],
        out_shape=[
            jax.ShapeDtypeStruct((NP, D), jnp.float32),
            jax.ShapeDtypeStruct((1, D), jnp.float32),
            jax.ShapeDtypeStruct((1, D), jnp.float32),
        ],
        scratch_shapes=[
            pltpu.VMEM((1, D), jnp.float32),
            pltpu.VMEM((1, D), jnp.float32),
        ],
    )(sum2, sum2, d0, d1, x_p, w_l, b_l, w_r)


def _tc2(sum2b, d0, d1, hr, s1, s2, g, be, w_l, b_l, w_r):
    return pl.pallas_call(
        _tc2_body,
        grid=(NBLK,),
        in_specs=[
            pl.BlockSpec((BLK, D), lambda i: (i, 0)),
            pl.BlockSpec((BLK, D), lambda i: (i + NBLK, 0)),
            pl.BlockSpec((BLK, 1), lambda i: (i, 0)),
            pl.BlockSpec((BLK, 1), lambda i: (i, 0)),
            pl.BlockSpec((BLK, D), lambda i: (i, 0)),
            _full_spec((1, D)),
            _full_spec((1, D)),
            _full_spec((1, D)),
            _full_spec((1, D)),
            _full_spec((D, D)),
            _full_spec((1, D)),
            _full_spec((D, D)),
        ],
        out_specs=pl.BlockSpec((BLK, D), lambda i: (i, 0)),
        out_shape=jax.ShapeDtypeStruct((N, D), jnp.float32),
    )(sum2b, sum2b, d0, d1, hr, s1, s2, g, be, w_l, b_l, w_r)


def kernel(x, edge_index, W1_l, b1_l, W1_r, gamma, beta, W2_l, b2_l, W2_r):
    src = edge_index[0]
    dst = edge_index[1]
    sum2, deg2 = _make_sc_kernel(True)(x, src, dst)
    d0 = deg2[0:NP].reshape(NP, 1)
    d1 = deg2[NP:].reshape(NP, 1)
    hr, s1, s2 = _tc1(sum2, d0, d1, x, W1_l, b1_l.reshape(1, D), W1_r)
    sum2b = _make_sc_kernel(False)(hr, src, dst)
    if isinstance(sum2b, (tuple, list)):
        (sum2b,) = sum2b
    out = _tc2(sum2b, d0, d1, hr, s1, s2, gamma.reshape(1, D),
               beta.reshape(1, D), W2_l, b2_l.reshape(1, D), W2_r)
    return out

# --- scband reference (transcript-rebuilt; emitter-appended) ---
"""Pipeline reference for scband-sage-encoder-22179211117092 (READ-ONLY COPY).

The authoritative reference and input builder live on the scoring server;
editing this copy changes nothing except your own understanding.
"""

import jax, jax.numpy as jnp
import numpy as np

N = 10000
E = 320000
D = 128
H = 128


def setup_inputs(seed: int = 0) -> dict:
    key = jax.random.key(seed)
    ks = jax.random.split(key, 10)
    x = jax.random.normal(ks[0], (N, D), dtype=jnp.float32)
    edge_index = jax.random.randint(ks[1], (2, E), 0, N)
    s1 = 1.0 / np.sqrt(D)
    W1_l = jax.random.uniform(ks[2], (H, D), minval=-s1, maxval=s1, dtype=jnp.float32)
    b1_l = jax.random.uniform(ks[3], (H,), minval=-s1, maxval=s1, dtype=jnp.float32)
    W1_r = jax.random.uniform(ks[4], (H, D), minval=-s1, maxval=s1, dtype=jnp.float32)
    gamma = jnp.ones((H,), dtype=jnp.float32)
    beta = jnp.zeros((H,), dtype=jnp.float32)
    s2 = 1.0 / np.sqrt(H)
    W2_l = jax.random.uniform(ks[5], (H, H), minval=-s2, maxval=s2, dtype=jnp.float32)
    b2_l = jax.random.uniform(ks[6], (H,), minval=-s2, maxval=s2, dtype=jnp.float32)
    W2_r = jax.random.uniform(ks[7], (H, H), minval=-s2, maxval=s2, dtype=jnp.float32)
    return {"x": x, "edge_index": edge_index, "W1_l": W1_l, "b1_l": b1_l, "W1_r": W1_r,
            "gamma": gamma, "beta": beta, "W2_l": W2_l, "b2_l": b2_l, "W2_r": W2_r}


def _sage_conv(x, edge_index, W_l, b_l, W_r):
    # PyG SAGEConv with aggr='mean', normalize=True:
    # out = lin_l(mean_{j in N(i)} x_j) + lin_r(x_i); out = l2_normalize(out)
    src = edge_index[0]
    dst = edge_index[1]
    msgs = jnp.take(x, src, axis=0)                      # gather  [E, d]
    summed = jax.ops.segment_sum(msgs, dst, num_segments=x.shape[0])
    deg = jax.ops.segment_sum(jnp.ones((msgs.shape[0],), dtype=x.dtype), dst, num_segments=x.shape[0])
    mean = summed / jnp.clip(deg, 1.0, None)[:, None]
    out = mean @ W_l.T + b_l + x @ W_r.T
    norm = jnp.linalg.norm(out, ord=2, axis=-1, keepdims=True)
    out = out / jnp.maximum(norm, 1e-12)
    return out


def _transition(h, gamma, beta):
    # ReLU -> BatchNorm1d (training-mode batch stats, eps=1e-5) -> Dropout (eval = identity)
    h = jax.nn.relu(h)
    mu = jnp.mean(h, axis=0)
    var = jnp.mean((h - mu) ** 2, axis=0)  # biased variance, matches BN normalization
    h = (h - mu) / jnp.sqrt(var + 1e-5) * gamma + beta
    return h


def reference(x, edge_index, W1_l, b1_l, W1_r, gamma, beta, W2_l, b2_l, W2_r):
    h = _sage_conv(x, edge_index, W1_l, b1_l, W1_r)
    h = _transition(h, gamma, beta)
    h = _sage_conv(h, edge_index, W2_l, b2_l, W2_r)
    return h

if __name__ == "__main__":
    import jax
    _d = setup_inputs()
    print(jax.jit(kernel)(*tuple(_d.values())))

</pallas_src>

<mosaic_0001>
#map = affine_map<(d0, d1) -> (0, 0)>
#map1 = affine_map<(d0, d1) -> (0)>
module attributes {stable_mosaic.version = 14 : i64} {
  func.func @body(%arg0: i32, %arg1: i32, %arg2: memref<10240x128xf32, #tpu.memory_space<hbm>>, %arg3: memref<320000xi32, #tpu.memory_space<hbm>>, %arg4: memref<320000xi32, #tpu.memory_space<hbm>>, %arg5: memref<20480x128xf32, #tpu.memory_space<hbm>>, %arg6: memref<10240x128xf32, #tpu.memory_space<vmem_shared>>, %arg7: memref<10000xi32, #tpu.memory_space<vmem>>, %arg8: memref<10000xi32, #tpu.memory_space<vmem>>, %arg9: memref<80x128xf32, #tpu.memory_space<vmem>>, %arg10: memref<80x128xf32, #tpu.memory_space<vmem>>, %arg11: memref<!tpu.dma_semaphore, #tpu.memory_space<semaphore_mem>>, %arg12: memref<!tpu.dma_semaphore, #tpu.memory_space<semaphore_mem>>, %arg13: memref<16x128xf32, #tpu.memory_space<vmem>>) attributes {dimension_semantics = [#tpu.dimension_semantics<core_parallel>, #tpu.dimension_semantics<subcore_parallel>], iteration_bounds = array<i64: 2, 16>, scalar_prefetch = 0 : i64, scratch_operands = 8 : i64, tpu.core_type = #tpu.core_type<sc_vector_subcore>, window_params = [{transform_indices = #map}, {transform_indices = #map1}, {transform_indices = #map1}, {transform_indices = #map}]} {
    %mul3A = arith.constant 16 : i32
    %mul3A_0 = arith.muli %arg0, %mul3A : i32
    %add3A = arith.addi %mul3A_0, %arg1 : i32
    %mul3A_1 = arith.constant 10000 : i32
    %mul3A_2 = arith.muli %add3A, %mul3A_1 : i32
    "tpu.region"() ({
      %run_scoped3A = tpu.sem_alloc : memref<!tpu.dma_semaphore, #tpu.memory_space<semaphore_mem>>
      %dma_start3A_41 = tpu.memref_slice %arg3[%mul3A_2] : memref<320000xi32, #tpu.memory_space<hbm>> -> memref<10000xi32, #tpu.memory_space<hbm>>
      %dma_start3A_42 = tpu.memref_slice %arg3[%mul3A_2] : memref<320000xi32, #tpu.memory_space<hbm>> -> memref<10000xi32, #tpu.memory_space<hbm>>
      tpu.enqueue_dma source(%dma_start3A_42 : memref<10000xi32, #tpu.memory_space<hbm>>) target(%arg7 : memref<10000xi32, #tpu.memory_space<vmem>>) target_semaphore(%run_scoped3A : memref<!tpu.dma_semaphore, #tpu.memory_space<semaphore_mem>>)
      %dma_wait3A = tpu.memref_slice %arg3[%mul3A_2] : memref<320000xi32, #tpu.memory_space<hbm>> -> memref<10000xi32, #tpu.memory_space<hbm>>
      %dma_wait3A_43 = tpu.memref_slice %arg3[%mul3A_2] : memref<320000xi32, #tpu.memory_space<hbm>> -> memref<10000xi32, #tpu.memory_space<hbm>>
      tpu.wait_dma2 semaphore(%run_scoped3A : memref<!tpu.dma_semaphore, #tpu.memory_space<semaphore_mem>>) src(%dma_wait3A_43 : memref<10000xi32, #tpu.memory_space<hbm>>) dst(%arg7 : memref<10000xi32, #tpu.memory_space<vmem>>)
      tpu.yield
    }) : () -> ()
    %mul3A_3 = arith.constant 10000 : i32
    %mul3A_4 = arith.muli %add3A, %mul3A_3 : i32
    "tpu.region"() ({
      %run_scoped3A = tpu.sem_alloc : memref<!tpu.dma_semaphore, #tpu.memory_space<semaphore_mem>>
      %dma_start3A_41 = tpu.memref_slice %arg4[%mul3A_4] : memref<320000xi32, #tpu.memory_space<hbm>> -> memref<10000xi32, #tpu.memory_space<hbm>>
      %dma_start3A_42 = tpu.memref_slice %arg4[%mul3A_4] : memref<320000xi32, #tpu.memory_space<hbm>> -> memref<10000xi32, #tpu.memory_space<hbm>>
      tpu.enqueue_dma source(%dma_start3A_42 : memref<10000xi32, #tpu.memory_space<hbm>>) target(%arg8 : memref<10000xi32, #tpu.memory_space<vmem>>) target_semaphore(%run_scoped3A : memref<!tpu.dma_semaphore, #tpu.memory_space<semaphore_mem>>)
      %dma_wait3A = tpu.memref_slice %arg4[%mul3A_4] : memref<320000xi32, #tpu.memory_space<hbm>> -> memref<10000xi32, #tpu.memory_space<hbm>>
      %dma_wait3A_43 = tpu.memref_slice %arg4[%mul3A_4] : memref<320000xi32, #tpu.memory_space<hbm>> -> memref<10000xi32, #tpu.memory_space<hbm>>
      tpu.wait_dma2 semaphore(%run_scoped3A : memref<!tpu.dma_semaphore, #tpu.memory_space<semaphore_mem>>) src(%dma_wait3A_43 : memref<10000xi32, #tpu.memory_space<hbm>>) dst(%arg8 : memref<10000xi32, #tpu.memory_space<vmem>>)
      tpu.yield
    }) : () -> ()
    %dma_start3A = arith.constant 0 : i32
    %dma_start3A_5 = tpu.memref_slice %arg7[%dma_start3A] : memref<10000xi32, #tpu.memory_space<vmem>> -> memref<80xi32, #tpu.memory_space<vmem>>
    %dma_start3A_6 = arith.constant 0 : i32
    %dma_start3A_7 = arith.constant 0 : i32
    %dma_start3A_8 = tpu.memref_slice %arg2[%dma_start3A_6, %dma_start3A_7] : memref<10240x128xf32, #tpu.memory_space<hbm>> -> memref<10240x128xf32, #tpu.memory_space<hbm>>
    tpu.enqueue_indirect_dma source(%dma_start3A_8 : memref<10240x128xf32, #tpu.memory_space<hbm>>) target(%arg9 : memref<80x128xf32, #tpu.memory_space<vmem>>) offsets(%dma_start3A_5 : memref<80xi32, #tpu.memory_space<vmem>>) semaphore(%arg11 : memref<!tpu.dma_semaphore, #tpu.memory_space<semaphore_mem>>)
    %dma_start3A_9 = arith.constant 80 : i32
    %dma_start3A_10 = tpu.memref_slice %arg7[%dma_start3A_9] : memref<10000xi32, #tpu.memory_space<vmem>> -> memref<80xi32, #tpu.memory_space<vmem>>
    %dma_start3A_11 = arith.constant 0 : i32
    %dma_start3A_12 = arith.constant 0 : i32
    %dma_start3A_13 = tpu.memref_slice %arg2[%dma_start3A_11, %dma_start3A_12] : memref<10240x128xf32, #tpu.memory_space<hbm>> -> memref<10240x128xf32, #tpu.memory_space<hbm>>
    tpu.enqueue_indirect_dma source(%dma_start3A_13 : memref<10240x128xf32, #tpu.memory_space<hbm>>) target(%arg10 : memref<80x128xf32, #tpu.memory_space<vmem>>) offsets(%dma_start3A_10 : memref<80xi32, #tpu.memory_space<vmem>>) semaphore(%arg12 : memref<!tpu.dma_semaphore, #tpu.memory_space<semaphore_mem>>)
    %scan3A = arith.constant 0 : i32
    %scan3A_14 = arith.constant 0 : i32
    %scan3A_15 = arith.constant 128 : i32
    %scan3A_16 = arith.addi %scan3A_14, %scan3A_15 : i32
    %scan3A_17 = arith.constant 1 : i32
    scf.for %scan3A_41 = %scan3A_14 to %scan3A_16 step %scan3A_17  : i32 {
      %jit3A = arith.constant 8 : i32
      %div3A = arith.divsi %scan3A_41, %jit3A : i32
      %sign3A = arith.constant 0 : i32
      %sign3A_42 = arith.cmpi sgt, %scan3A_41, %sign3A : i32
      %sign3A_43 = arith.extui %sign3A_42 : i1 to i32
      %sign3A_44 = arith.constant 0 : i32
      %sign3A_45 = arith.cmpi slt, %scan3A_41, %sign3A_44 : i32
      %sign3A_46 = arith.extui %sign3A_45 : i1 to i32
      %sign3A_47 = arith.subi %sign3A_43, %sign3A_46 : i32
      %sign3A_48 = arith.constant 0 : i32
      %sign3A_49 = arith.cmpi sgt, %jit3A, %sign3A_48 : i32
      %sign3A_50 = arith.extui %sign3A_49 : i1 to i32
      %sign3A_51 = arith.constant 0 : i32
      %sign3A_52 = arith.cmpi slt, %jit3A, %sign3A_51 : i32
      %sign3A_53 = arith.extui %sign3A_52 : i1 to i32
      %sign3A_54 = arith.subi %sign3A_50, %sign3A_53 : i32
      %ne3A = arith.cmpi ne, %sign3A_47, %sign3A_54 : i32
      %rem3A = arith.remsi %scan3A_41, %jit3A : i32
      %ne3A_55 = arith.constant 0 : i32
      %ne3A_56 = arith.cmpi ne, %rem3A, %ne3A_55 : i32
      %and3A = arith.andi %ne3A, %ne3A_56 : i1
      %sub3A = arith.constant 1 : i32
      %sub3A_57 = arith.subi %div3A, %sub3A : i32
      %select_n3A = arith.select %and3A, %sub3A_57, %div3A : i32
      %jit3A_58 = arith.constant 8 : i32
      %eq3A = arith.constant 0 : i32
      %eq3A_59 = arith.cmpi eq, %jit3A_58, %eq3A : i32
      %jit3A_60 = arith.constant 1 : i32
      %select_n3A_61 = arith.select %eq3A_59, %jit3A_60, %jit3A_58 : i32
      %rem3A_62 = arith.remsi %scan3A_41, %select_n3A_61 : i32
      %ne3A_63 = arith.constant 0 : i32
      %ne3A_64 = arith.cmpi ne, %rem3A_62, %ne3A_63 : i32
      %lt3A = arith.constant 0 : i32
      %lt3A_65 = arith.cmpi slt, %rem3A_62, %lt3A : i32
      %lt3A_66 = arith.constant 0 : i32
      %lt3A_67 = arith.cmpi slt, %select_n3A_61, %lt3A_66 : i32
      %ne3A_68 = arith.xori %lt3A_65, %lt3A_67 : i1
      %and3A_69 = arith.andi %ne3A_68, %ne3A_64 : i1
      %add3A_70 = arith.addi %rem3A_62, %select_n3A_61 : i32
      %select_n3A_71 = arith.select %and3A_69, %add3A_70, %rem3A_62 : i32
      %mul3A_72 = arith.constant 16 : i32
      %mul3A_73 = arith.muli %select_n3A_71, %mul3A_72 : i32
      %broadcast_in_dim3A = arith.constant 0.000000e+00 : f32
      %broadcast_in_dim3A_74 = vector.broadcast %broadcast_in_dim3A : f32 to vector<16xf32>
      %swap3A = arith.index_cast %select_n3A : i32 to index
      %swap3A_75 = arith.index_cast %mul3A_73 : i32 to index
      %swap3A_76 = tpu.vector_load %arg13[%swap3A, %swap3A_75] {strides = array<i32>} : memref<16x128xf32, #tpu.memory_space<vmem>>, vector<1x16xf32>,
      %swap3A_77 = vector.shape_cast %swap3A_76 : vector<1x16xf32> to vector<16xf32>
      %swap3A_78 = vector.shape_cast %broadcast_in_dim3A_74 : vector<16xf32> to vector<1x16xf32>
      tpu.vector_store %arg13[%swap3A, %swap3A_75], %swap3A_78 {strides = array<i32>} : memref<16x128xf32, #tpu.memory_space<vmem>>, vector<1x16xf32>,
    }
    %scan3A_18 = arith.constant 128 : i32
    %mul3A_19 = arith.constant 640 : i32
    %mul3A_20 = arith.muli %arg1, %mul3A_19 : i32
    %scan3A_21 = arith.constant 0 : i32
    %scan3A_22 = arith.constant 0 : i32
    %scan3A_23 = arith.constant 40 : i32
    %scan3A_24 = arith.addi %scan3A_22, %scan3A_23 : i32
    %scan3A_25 = arith.constant 1 : i32
    scf.for %scan3A_41 = %scan3A_22 to %scan3A_24 step %scan3A_25  : i32 {
      %mul3A_42 = arith.constant 16 : i32
      %mul3A_43 = arith.muli %scan3A_41, %mul3A_42 : i32
      %add3A_44 = arith.addi %mul3A_20, %mul3A_43 : i32
      "tpu.region"() ({
        %run_scoped3A = tpu.sem_alloc : memref<!tpu.dma_semaphore, #tpu.memory_space<semaphore_mem>>
        %dma_start3A_45 = arith.constant 0 : i32
        %dma_start3A_46 = tpu.memref_slice %arg6[%add3A_44, %dma_start3A_45] : memref<10240x128xf32, #tpu.memory_space<vmem_shared>> -> memref<16x128xf32, #tpu.memory_space<vmem_shared>>
        %dma_start3A_47 = arith.constant 0 : i32
        %dma_start3A_48 = tpu.memref_slice %arg6[%add3A_44, %dma_start3A_47] : memref<10240x128xf32, #tpu.memory_space<vmem_shared>> -> memref<16x128xf32, #tpu.memory_space<vmem_shared>>
        tpu.enqueue_dma source(%arg13 : memref<16x128xf32, #tpu.memory_space<vmem>>) target(%dma_start3A_48 : memref<16x128xf32, #tpu.memory_space<vmem_shared>>) target_semaphore(%run_scoped3A : memref<!tpu.dma_semaphore, #tpu.memory_space<semaphore_mem>>)
        %dma_wait3A = arith.constant 0 : i32
        %dma_wait3A_49 = tpu.memref_slice %arg6[%add3A_44, %dma_wait3A] : memref<10240x128xf32, #tpu.memory_space<vmem_shared>> -> memref<16x128xf32, #tpu.memory_space<vmem_shared>>
        %dma_wait3A_50 = arith.constant 0 : i32
        %dma_wait3A_51 = tpu.memref_slice %arg6[%add3A_44, %dma_wait3A_50] : memref<10240x128xf32, #tpu.memory_space<vmem_shared>> -> memref<16x128xf32, #tpu.memory_space<vmem_shared>>
        tpu.wait_dma2 semaphore(%run_scoped3A : memref<!tpu.dma_semaphore, #tpu.memory_space<semaphore_mem>>) src(%arg13 : memref<16x128xf32, #tpu.memory_space<vmem>>) dst(%dma_wait3A_51 : memref<16x128xf32, #tpu.memory_space<vmem_shared>>)
        tpu.yield
      }) : () -> ()
    }
    %scan3A_26 = arith.constant 40 : i32
    %barrier3A = arith.constant 0 : index
    tpu.barrier barrier_id(%barrier3A)
    %scan3A_27 = arith.constant 0 : i32
    %scan3A_28 = arith.constant 0 : i32
    %scan3A_29 = arith.constant 63 : i32
    %scan3A_30 = arith.addi %scan3A_28, %scan3A_29 : i32
    %scan3A_31 = arith.constant 1 : i32
    scf.for %scan3A_41 = %scan3A_28 to %scan3A_30 step %scan3A_31  : i32 {
      %mul3A_42 = arith.constant 2 : i32
      %mul3A_43 = arith.muli %scan3A_41, %mul3A_42 : i32
      %add3A_44 = arith.constant 0 : i32
      %add3A_45 = arith.addi %mul3A_43, %add3A_44 : i32
      %ge3A = arith.constant 2 : i32
      %ge3A_46 = arith.cmpi sge, %add3A_45, %ge3A : i32
      %lt3A = arith.constant 125 : i32
      %lt3A_47 = arith.cmpi slt, %add3A_45, %lt3A : i32
      %and3A = arith.andi %ge3A_46, %lt3A_47 : i1
      %convert_element_type3A = arith.extui %and3A : i1 to i32
      %cond3A = arith.constant 0 : i32
      %cond3A_48 = arith.cmpi ne, %convert_element_type3A, %cond3A : i32
      scf.if %cond3A_48 {
        %mul3A_80 = arith.constant 80 : i32
        %mul3A_81 = arith.muli %add3A_45, %mul3A_80 : i32
        %dma_start3A_82 = tpu.memref_slice %arg7[%mul3A_81] : memref<10000xi32, #tpu.memory_space<vmem>> -> memref<80xi32, #tpu.memory_space<vmem>>
        %dma_start3A_83 = arith.constant 0 : i32
        %dma_start3A_84 = arith.constant 0 : i32
        %dma_start3A_85 = tpu.memref_slice %arg2[%dma_start3A_83, %dma_start3A_84] : memref<10240x128xf32, #tpu.memory_space<hbm>> -> memref<10240x128xf32, #tpu.memory_space<hbm>>
        tpu.enqueue_indirect_dma source(%dma_start3A_85 : memref<10240x128xf32, #tpu.memory_space<hbm>>) target(%arg9 : memref<80x128xf32, #tpu.memory_space<vmem>>) offsets(%dma_start3A_82 : memref<80xi32, #tpu.memory_space<vmem>>) semaphore(%arg11 : memref<!tpu.dma_semaphore, #tpu.memory_space<semaphore_mem>>)
      } else {
      }
      %sub3A = arith.constant 1 : i32
      %sub3A_49 = arith.subi %add3A_45, %sub3A : i32
      %ge3A_50 = arith.constant 0 : i32
      %ge3A_51 = arith.cmpi sge, %sub3A_49, %ge3A_50 : i32
      %lt3A_52 = arith.constant 125 : i32
      %lt3A_53 = arith.cmpi slt, %sub3A_49, %lt3A_52 : i32
      %and3A_54 = arith.andi %ge3A_51, %lt3A_53 : i1
      %convert_element_type3A_55 = arith.extui %and3A_54 : i1 to i32
      %cond3A_56 = arith.constant 0 : i32
      %cond3A_57 = arith.cmpi ne, %convert_element_type3A_55, %cond3A_56 : i32
      scf.if %cond3A_57 {
        %mul3A_80 = arith.constant 80 : i32
        %mul3A_81 = arith.muli %sub3A_49, %mul3A_80 : i32
        %dma_wait3A = arith.constant 0 : i32
        %dma_wait3A_82 = arith.constant 0 : i32
        %dma_wait3A_83 = tpu.memref_slice %arg2[%dma_wait3A, %dma_wait3A_82] : memref<10240x128xf32, #tpu.memory_space<hbm>> -> memref<80x128xf32, #tpu.memory_space<hbm>>
        %dma_wait3A_84 = arith.constant 0 : i32
        %dma_wait3A_85 = arith.constant 0 : i32
        %dma_wait3A_86 = tpu.memref_slice %arg2[%dma_wait3A_84, %dma_wait3A_85] : memref<10240x128xf32, #tpu.memory_space<hbm>> -> memref<80x128xf32, #tpu.memory_space<hbm>>
        tpu.wait_dma2 semaphore(%arg12 : memref<!tpu.dma_semaphore, #tpu.memory_space<semaphore_mem>>) src(%dma_wait3A_86 : memref<80x128xf32, #tpu.memory_space<hbm>>) dst(%arg10 : memref<80x128xf32, #tpu.memory_space<vmem>>)
        "tpu.region"() ({
          %run_scoped3A = tpu.sem_alloc : memref<!tpu.dma_semaphore, #tpu.memory_space<semaphore_mem>>
          %dma_start3A_87 = tpu.memref_slice %arg8[%mul3A_81] : memref<10000xi32, #tpu.memory_space<vmem>> -> memref<80xi32, #tpu.memory_space<vmem>>
          %dma_start3A_88 = arith.constant 0 : i32
          %dma_start3A_89 = arith.constant 0 : i32
          %dma_start3A_90 = tpu.memref_slice %arg6[%dma_start3A_88, %dma_start3A_89] : memref<10240x128xf32, #tpu.memory_space<vmem_shared>> -> memref<10240x128xf32, #tpu.memory_space<vmem_shared>>
          tpu.enqueue_indirect_dma source(%arg10 : memref<80x128xf32, #tpu.memory_space<vmem>>) target(%dma_start3A_90 : memref<10240x128xf32, #tpu.memory_space<vmem_shared>>) offsets(%dma_start3A_87 : memref<80xi32, #tpu.memory_space<vmem>>) semaphore(%run_scoped3A : memref<!tpu.dma_semaphore, #tpu.memory_space<semaphore_mem>>) {add = true}
          %dma_wait3A_91 = tpu.memref_slice %arg8[%mul3A_81] : memref<10000xi32, #tpu.memory_space<vmem>> -> memref<80xi32, #tpu.memory_space<vmem>>
          %dma_wait3A_92 = arith.constant 0 : i32
          %dma_wait3A_93 = arith.constant 0 : i32
          %dma_wait3A_94 = tpu.memref_slice %arg6[%dma_wait3A_92, %dma_wait3A_93] : memref<10240x128xf32, #tpu.memory_space<vmem_shared>> -> memref<10240x128xf32, #tpu.memory_space<vmem_shared>>
          tpu.wait_indirect_dma semaphore(%run_scoped3A : memref<!tpu.dma_semaphore, #tpu.memory_space<semaphore_mem>>) src(%arg10 : memref<80x128xf32, #tpu.memory_space<vmem>>) dst(%dma_wait3A_94 : memref<10240x128xf32, #tpu.memory_space<vmem_shared>>)
          tpu.yield
        }) : () -> ()
      } else {
      }
      %mul3A_58 = arith.constant 2 : i32
      %mul3A_59 = arith.muli %scan3A_41, %mul3A_58 : i32
      %add3A_60 = arith.constant 1 : i32
      %add3A_61 = arith.addi %mul3A_59, %add3A_60 : i32
      %ge3A_62 = arith.constant 2 : i32
      %ge3A_63 = arith.cmpi sge, %add3A_61, %ge3A_62 : i32
      %lt3A_64 = arith.constant 125 : i32
      %lt3A_65 = arith.cmpi slt, %add3A_61, %lt3A_64 : i32
      %and3A_66 = arith.andi %ge3A_63, %lt3A_65 : i1
      %convert_element_type3A_67 = arith.extui %and3A_66 : i1 to i32
      %cond3A_68 = arith.constant 0 : i32
      %cond3A_69 = arith.cmpi ne, %convert_element_type3A_67, %cond3A_68 : i32
      scf.if %cond3A_69 {
        %mul3A_80 = arith.constant 80 : i32
        %mul3A_81 = arith.muli %add3A_61, %mul3A_80 : i32
        %dma_start3A_82 = tpu.memref_slice %arg7[%mul3A_81] : memref<10000xi32, #tpu.memory_space<vmem>> -> memref<80xi32, #tpu.memory_space<vmem>>
        %dma_start3A_83 = arith.constant 0 : i32
        %dma_start3A_84 = arith.constant 0 : i32
        %dma_start3A_85 = tpu.memref_slice %arg2[%dma_start3A_83, %dma_start3A_84] : memref<10240x128xf32, #tpu.memory_space<hbm>> -> memref<10240x128xf32, #tpu.memory_space<hbm>>
        tpu.enqueue_indirect_dma source(%dma_start3A_85 : memref<10240x128xf32, #tpu.memory_space<hbm>>) target(%arg10 : memref<80x128xf32, #tpu.memory_space<vmem>>) offsets(%dma_start3A_82 : memref<80xi32, #tpu.memory_space<vmem>>) semaphore(%arg12 : memref<!tpu.dma_semaphore, #tpu.memory_space<semaphore_mem>>)
      } else {
      }
      %sub3A_70 = arith.constant 1 : i32
      %sub3A_71 = arith.subi %add3A_61, %sub3A_70 : i32
      %ge3A_72 = arith.constant 0 : i32
      %ge3A_73 = arith.cmpi sge, %sub3A_71, %ge3A_72 : i32
      %lt3A_74 = arith.constant 125 : i32
      %lt3A_75 = arith.cmpi slt, %sub3A_71, %lt3A_74 : i32
      %and3A_76 = arith.andi %ge3A_73, %lt3A_75 : i1
      %convert_element_type3A_77 = arith.extui %and3A_76 : i1 to i32
      %cond3A_78 = arith.constant 0 : i32
      %cond3A_79 = arith.cmpi ne, %convert_element_type3A_77, %cond3A_78 : i32
      scf.if %cond3A_79 {
        %mul3A_80 = arith.constant 80 : i32
        %mul3A_81 = arith.muli %sub3A_71, %mul3A_80 : i32
        %dma_wait3A = arith.constant 0 : i32
        %dma_wait3A_82 = arith.constant 0 : i32
        %dma_wait3A_83 = tpu.memref_slice %arg2[%dma_wait3A, %dma_wait3A_82] : memref<10240x128xf32, #tpu.memory_space<hbm>> -> memref<80x128xf32, #tpu.memory_space<hbm>>
        %dma_wait3A_84 = arith.constant 0 : i32
        %dma_wait3A_85 = arith.constant 0 : i32
        %dma_wait3A_86 = tpu.memref_slice %arg2[%dma_wait3A_84, %dma_wait3A_85] : memref<10240x128xf32, #tpu.memory_space<hbm>> -> memref<80x128xf32, #tpu.memory_space<hbm>>
        tpu.wait_dma2 semaphore(%arg11 : memref<!tpu.dma_semaphore, #tpu.memory_space<semaphore_mem>>) src(%dma_wait3A_86 : memref<80x128xf32, #tpu.memory_space<hbm>>) dst(%arg9 : memref<80x128xf32, #tpu.memory_space<vmem>>)
        "tpu.region"() ({
          %run_scoped3A = tpu.sem_alloc : memref<!tpu.dma_semaphore, #tpu.memory_space<semaphore_mem>>
          %dma_start3A_87 = tpu.memref_slice %arg8[%mul3A_81] : memref<10000xi32, #tpu.memory_space<vmem>> -> memref<80xi32, #tpu.memory_space<vmem>>
          %dma_start3A_88 = arith.constant 0 : i32
          %dma_start3A_89 = arith.constant 0 : i32
          %dma_start3A_90 = tpu.memref_slice %arg6[%dma_start3A_88, %dma_start3A_89] : memref<10240x128xf32, #tpu.memory_space<vmem_shared>> -> memref<10240x128xf32, #tpu.memory_space<vmem_shared>>
          tpu.enqueue_indirect_dma source(%arg9 : memref<80x128xf32, #tpu.memory_space<vmem>>) target(%dma_start3A_90 : memref<10240x128xf32, #tpu.memory_space<vmem_shared>>) offsets(%dma_start3A_87 : memref<80xi32, #tpu.memory_space<vmem>>) semaphore(%run_scoped3A : memref<!tpu.dma_semaphore, #tpu.memory_space<semaphore_mem>>) {add = true}
          %dma_wait3A_91 = tpu.memref_slice %arg8[%mul3A_81] : memref<10000xi32, #tpu.memory_space<vmem>> -> memref<80xi32, #tpu.memory_space<vmem>>
          %dma_wait3A_92 = arith.constant 0 : i32
          %dma_wait3A_93 = arith.constant 0 : i32
          %dma_wait3A_94 = tpu.memref_slice %arg6[%dma_wait3A_92, %dma_wait3A_93] : memref<10240x128xf32, #tpu.memory_space<vmem_shared>> -> memref<10240x128xf32, #tpu.memory_space<vmem_shared>>
          tpu.wait_indirect_dma semaphore(%run_scoped3A : memref<!tpu.dma_semaphore, #tpu.memory_space<semaphore_mem>>) src(%arg9 : memref<80x128xf32, #tpu.memory_space<vmem>>) dst(%dma_wait3A_94 : memref<10240x128xf32, #tpu.memory_space<vmem_shared>>)
          tpu.yield
        }) : () -> ()
      } else {
      }
    }
    %scan3A_32 = arith.constant 63 : i32
    %barrier3A_33 = arith.constant 0 : index
    tpu.barrier barrier_id(%barrier3A_33)
    %mul3A_34 = arith.constant 10240 : i32
    %mul3A_35 = arith.muli %arg0, %mul3A_34 : i32
    %mul3A_36 = arith.constant 640 : i32
    %mul3A_37 = arith.muli %arg1, %mul3A_36 : i32
    %add3A_38 = arith.addi %mul3A_35, %mul3A_37 : i32
    %mul3A_39 = arith.constant 640 : i32
    %mul3A_40 = arith.muli %arg1, %mul3A_39 : i32
    "tpu.region"() ({
      %run_scoped3A = tpu.sem_alloc : memref<!tpu.dma_semaphore, #tpu.memory_space<semaphore_mem>>
      %dma_start3A_41 = arith.constant 0 : i32
      %dma_start3A_42 = tpu.memref_slice %arg5[%add3A_38, %dma_start3A_41] : memref<20480x128xf32, #tpu.memory_space<hbm>> -> memref<640x128xf32, #tpu.memory_space<hbm>>
      %dma_start3A_43 = arith.constant 0 : i32
      %dma_start3A_44 = tpu.memref_slice %arg6[%mul3A_40, %dma_start3A_43] : memref<10240x128xf32, #tpu.memory_space<vmem_shared>> -> memref<640x128xf32, #tpu.memory_space<vmem_shared>>
      tpu.enqueue_dma source(%dma_start3A_44 : memref<640x128xf32, #tpu.memory_space<vmem_shared>>) target(%dma_start3A_42 : memref<640x128xf32, #tpu.memory_space<hbm>>) target_semaphore(%run_scoped3A : memref<!tpu.dma_semaphore, #tpu.memory_space<semaphore_mem>>)
      %dma_wait3A = arith.constant 0 : i32
      %dma_wait3A_45 = tpu.memref_slice %arg5[%add3A_38, %dma_wait3A] : memref<20480x128xf32, #tpu.memory_space<hbm>> -> memref<640x128xf32, #tpu.memory_space<hbm>>
      %dma_wait3A_46 = arith.constant 0 : i32
      %dma_wait3A_47 = tpu.memref_slice %arg6[%mul3A_40, %dma_wait3A_46] : memref<10240x128xf32, #tpu.memory_space<vmem_shared>> -> memref<640x128xf32, #tpu.memory_space<vmem_shared>>
      tpu.wait_dma2 semaphore(%run_scoped3A : memref<!tpu.dma_semaphore, #tpu.memory_space<semaphore_mem>>) src(%dma_wait3A_47 : memref<640x128xf32, #tpu.memory_space<vmem_shared>>) dst(%dma_wait3A_45 : memref<640x128xf32, #tpu.memory_space<hbm>>)
      tpu.yield
    }) : () -> ()
    return
  }
}

#map = affine_map<(d0, d1) -> (0, 0)>
#map1 = affine_map<(d0, d1) -> (0)>
module attributes {stable_mosaic.version = 14 : i64} {
  func.func @body(%arg0: i32, %arg1: i32, %arg2: memref<10000x128xf32, #tpu.memory_space<hbm>>, %arg3: memref<320000xi32, #tpu.memory_space<hbm>>, %arg4: memref<320000xi32, #tpu.memory_space<hbm>>, %arg5: memref<20480x128xf32, #tpu.memory_space<hbm>>, %arg6: memref<20480xf32, #tpu.memory_space<hbm>>, %arg7: memref<10240x128xf32, #tpu.memory_space<vmem_shared>>, %arg8: memref<10000xi32, #tpu.memory_space<vmem>>, %arg9: memref<10000xi32, #tpu.memory_space<vmem>>, %arg10: memref<80x128xf32, #tpu.memory_space<vmem>>, %arg11: memref<80x128xf32, #tpu.memory_space<vmem>>, %arg12: memref<!tpu.dma_semaphore, #tpu.memory_space<semaphore_mem>>, %arg13: memref<!tpu.dma_semaphore, #tpu.memory_space<semaphore_mem>>, %arg14: memref<16x128xf32, #tpu.memory_space<vmem>>, %arg15: memref<10240xf32, #tpu.memory_space<vmem_shared>>, %arg16: memref<5016xf32, #tpu.memory_space<vmem>>, %arg17: memref<640xf32, #tpu.memory_space<vmem>>) attributes {dimension_semantics = [#tpu.dimension_semantics<core_parallel>, #tpu.dimension_semantics<subcore_parallel>], iteration_bounds = array<i64: 2, 16>, scalar_prefetch = 0 : i64, scratch_operands = 11 : i64, tpu.core_type = #tpu.core_type<sc_vector_subcore>, window_params = [{transform_indices = #map}, {transform_indices = #map1}, {transform_indices = #map1}, {transform_indices = #map}, {transform_indices = #map1}]} {
    %mul3A = arith.constant 16 : i32
    %mul3A_0 = arith.muli %arg0, %mul3A : i32
    %add3A = arith.addi %mul3A_0, %arg1 : i32
    %mul3A_1 = arith.constant 10000 : i32
    %mul3A_2 = arith.muli %add3A, %mul3A_1 : i32
    "tpu.region"() ({
      %run_scoped3A = tpu.sem_alloc : memref<!tpu.dma_semaphore, #tpu.memory_space<semaphore_mem>>
      %dma_start3A_55 = tpu.memref_slice %arg3[%mul3A_2] : memref<320000xi32, #tpu.memory_space<hbm>> -> memref<10000xi32, #tpu.memory_space<hbm>>
      %dma_start3A_56 = tpu.memref_slice %arg3[%mul3A_2] : memref<320000xi32, #tpu.memory_space<hbm>> -> memref<10000xi32, #tpu.memory_space<hbm>>
      tpu.enqueue_dma source(%dma_start3A_56 : memref<10000xi32, #tpu.memory_space<hbm>>) target(%arg8 : memref<10000xi32, #tpu.memory_space<vmem>>) target_semaphore(%run_scoped3A : memref<!tpu.dma_semaphore, #tpu.memory_space<semaphore_mem>>)
      %dma_wait3A = tpu.memref_slice %arg3[%mul3A_2] : memref<320000xi32, #tpu.memory_space<hbm>> -> memref<10000xi32, #tpu.memory_space<hbm>>
      %dma_wait3A_57 = tpu.memref_slice %arg3[%mul3A_2] : memref<320000xi32, #tpu.memory_space<hbm>> -> memref<10000xi32, #tpu.memory_space<hbm>>
      tpu.wait_dma2 semaphore(%run_scoped3A : memref<!tpu.dma_semaphore, #tpu.memory_space<semaphore_mem>>) src(%dma_wait3A_57 : memref<10000xi32, #tpu.memory_space<hbm>>) dst(%arg8 : memref<10000xi32, #tpu.memory_space<vmem>>)
      tpu.yield
    }) : () -> ()
    %mul3A_3 = arith.constant 10000 : i32
    %mul3A_4 = arith.muli %add3A, %mul3A_3 : i32
    "tpu.region"() ({
      %run_scoped3A = tpu.sem_alloc : memref<!tpu.dma_semaphore, #tpu.memory_space<semaphore_mem>>
      %dma_start3A_55 = tpu.memref_slice %arg4[%mul3A_4] : memref<320000xi32, #tpu.memory_space<hbm>> -> memref<10000xi32, #tpu.memory_space<hbm>>
      %dma_start3A_56 = tpu.memref_slice %arg4[%mul3A_4] : memref<320000xi32, #tpu.memory_space<hbm>> -> memref<10000xi32, #tpu.memory_space<hbm>>
      tpu.enqueue_dma source(%dma_start3A_56 : memref<10000xi32, #tpu.memory_space<hbm>>) target(%arg9 : memref<10000xi32, #tpu.memory_space<vmem>>) target_semaphore(%run_scoped3A : memref<!tpu.dma_semaphore, #tpu.memory_space<semaphore_mem>>)
      %dma_wait3A = tpu.memref_slice %arg4[%mul3A_4] : memref<320000xi32, #tpu.memory_space<hbm>> -> memref<10000xi32, #tpu.memory_space<hbm>>
      %dma_wait3A_57 = tpu.memref_slice %arg4[%mul3A_4] : memref<320000xi32, #tpu.memory_space<hbm>> -> memref<10000xi32, #tpu.memory_space<hbm>>
      tpu.wait_dma2 semaphore(%run_scoped3A : memref<!tpu.dma_semaphore, #tpu.memory_space<semaphore_mem>>) src(%dma_wait3A_57 : memref<10000xi32, #tpu.memory_space<hbm>>) dst(%arg9 : memref<10000xi32, #tpu.memory_space<vmem>>)
      tpu.yield
    }) : () -> ()
    %dma_start3A = arith.constant 0 : i32
    %dma_start3A_5 = tpu.memref_slice %arg8[%dma_start3A] : memref<10000xi32, #tpu.memory_space<vmem>> -> memref<80xi32, #tpu.memory_space<vmem>>
    %dma_start3A_6 = arith.constant 0 : i32
    %dma_start3A_7 = arith.constant 0 : i32
    %dma_start3A_8 = tpu.memref_slice %arg2[%dma_start3A_6, %dma_start3A_7] : memref<10000x128xf32, #tpu.memory_space<hbm>> -> memref<10000x128xf32, #tpu.memory_space<hbm>>
    tpu.enqueue_indirect_dma source(%dma_start3A_8 : memref<10000x128xf32, #tpu.memory_space<hbm>>) target(%arg10 : memref<80x128xf32, #tpu.memory_space<vmem>>) offsets(%dma_start3A_5 : memref<80xi32, #tpu.memory_space<vmem>>) semaphore(%arg12 : memref<!tpu.dma_semaphore, #tpu.memory_space<semaphore_mem>>)
    %dma_start3A_9 = arith.constant 80 : i32
    %dma_start3A_10 = tpu.memref_slice %arg8[%dma_start3A_9] : memref<10000xi32, #tpu.memory_space<vmem>> -> memref<80xi32, #tpu.memory_space<vmem>>
    %dma_start3A_11 = arith.constant 0 : i32
    %dma_start3A_12 = arith.constant 0 : i32
    %dma_start3A_13 = tpu.memref_slice %arg2[%dma_start3A_11, %dma_start3A_12] : memref<10000x128xf32, #tpu.memory_space<hbm>> -> memref<10000x128xf32, #tpu.memory_space<hbm>>
    tpu.enqueue_indirect_dma source(%dma_start3A_13 : memref<10000x128xf32, #tpu.memory_space<hbm>>) target(%arg11 : memref<80x128xf32, #tpu.memory_space<vmem>>) offsets(%dma_start3A_10 : memref<80xi32, #tpu.memory_space<vmem>>) semaphore(%arg13 : memref<!tpu.dma_semaphore, #tpu.memory_space<semaphore_mem>>)
    %scan3A = arith.constant 0 : i32
    %scan3A_14 = arith.constant 0 : i32
    %scan3A_15 = arith.constant 128 : i32
    %scan3A_16 = arith.addi %scan3A_14, %scan3A_15 : i32
    %scan3A_17 = arith.constant 1 : i32
    scf.for %scan3A_55 = %scan3A_14 to %scan3A_16 step %scan3A_17  : i32 {
      %jit3A = arith.constant 8 : i32
      %div3A = arith.divsi %scan3A_55, %jit3A : i32
      %sign3A = arith.constant 0 : i32
      %sign3A_56 = arith.cmpi sgt, %scan3A_55, %sign3A : i32
      %sign3A_57 = arith.extui %sign3A_56 : i1 to i32
      %sign3A_58 = arith.constant 0 : i32
      %sign3A_59 = arith.cmpi slt, %scan3A_55, %sign3A_58 : i32
      %sign3A_60 = arith.extui %sign3A_59 : i1 to i32
      %sign3A_61 = arith.subi %sign3A_57, %sign3A_60 : i32
      %sign3A_62 = arith.constant 0 : i32
      %sign3A_63 = arith.cmpi sgt, %jit3A, %sign3A_62 : i32
      %sign3A_64 = arith.extui %sign3A_63 : i1 to i32
      %sign3A_65 = arith.constant 0 : i32
      %sign3A_66 = arith.cmpi slt, %jit3A, %sign3A_65 : i32
      %sign3A_67 = arith.extui %sign3A_66 : i1 to i32
      %sign3A_68 = arith.subi %sign3A_64, %sign3A_67 : i32
      %ne3A = arith.cmpi ne, %sign3A_61, %sign3A_68 : i32
      %rem3A = arith.remsi %scan3A_55, %jit3A : i32
      %ne3A_69 = arith.constant 0 : i32
      %ne3A_70 = arith.cmpi ne, %rem3A, %ne3A_69 : i32
      %and3A = arith.andi %ne3A, %ne3A_70 : i1
      %sub3A = arith.constant 1 : i32
      %sub3A_71 = arith.subi %div3A, %sub3A : i32
      %select_n3A = arith.select %and3A, %sub3A_71, %div3A : i32
      %jit3A_72 = arith.constant 8 : i32
      %eq3A = arith.constant 0 : i32
      %eq3A_73 = arith.cmpi eq, %jit3A_72, %eq3A : i32
      %jit3A_74 = arith.constant 1 : i32
      %select_n3A_75 = arith.select %eq3A_73, %jit3A_74, %jit3A_72 : i32
      %rem3A_76 = arith.remsi %scan3A_55, %select_n3A_75 : i32
      %ne3A_77 = arith.constant 0 : i32
      %ne3A_78 = arith.cmpi ne, %rem3A_76, %ne3A_77 : i32
      %lt3A = arith.constant 0 : i32
      %lt3A_79 = arith.cmpi slt, %rem3A_76, %lt3A : i32
      %lt3A_80 = arith.constant 0 : i32
      %lt3A_81 = arith.cmpi slt, %select_n3A_75, %lt3A_80 : i32
      %ne3A_82 = arith.xori %lt3A_79, %lt3A_81 : i1
      %and3A_83 = arith.andi %ne3A_82, %ne3A_78 : i1
      %add3A_84 = arith.addi %rem3A_76, %select_n3A_75 : i32
      %select_n3A_85 = arith.select %and3A_83, %add3A_84, %rem3A_76 : i32
      %mul3A_86 = arith.constant 16 : i32
      %mul3A_87 = arith.muli %select_n3A_85, %mul3A_86 : i32
      %broadcast_in_dim3A = arith.constant 0.000000e+00 : f32
      %broadcast_in_dim3A_88 = vector.broadcast %broadcast_in_dim3A : f32 to vector<16xf32>
      %swap3A = arith.index_cast %select_n3A : i32 to index
      %swap3A_89 = arith.index_cast %mul3A_87 : i32 to index
      %swap3A_90 = tpu.vector_load %arg14[%swap3A, %swap3A_89] {strides = array<i32>} : memref<16x128xf32, #tpu.memory_space<vmem>>, vector<1x16xf32>,
      %swap3A_91 = vector.shape_cast %swap3A_90 : vector<1x16xf32> to vector<16xf32>
      %swap3A_92 = vector.shape_cast %broadcast_in_dim3A_88 : vector<16xf32> to vector<1x16xf32>
      tpu.vector_store %arg14[%swap3A, %swap3A_89], %swap3A_92 {strides = array<i32>} : memref<16x128xf32, #tpu.memory_space<vmem>>, vector<1x16xf32>,
    }
    %scan3A_18 = arith.constant 128 : i32
    %scan3A_19 = arith.constant 0 : i32
    %scan3A_20 = arith.constant 0 : i32
    %scan3A_21 = arith.constant 313 : i32
    %scan3A_22 = arith.addi %scan3A_20, %scan3A_21 : i32
    %scan3A_23 = arith.constant 1 : i32
    scf.for %scan3A_55 = %scan3A_20 to %scan3A_22 step %scan3A_23  : i32 {
      %broadcast_in_dim3A = arith.constant 1.000000e+00 : f32
      %broadcast_in_dim3A_56 = vector.broadcast %broadcast_in_dim3A : f32 to vector<16xf32>
      %mul3A_57 = arith.constant 16 : i32
      %mul3A_58 = arith.muli %scan3A_55, %mul3A_57 : i32
      %swap3A = arith.index_cast %mul3A_58 : i32 to index
      %swap3A_59 = tpu.vector_load %arg16[%swap3A] {strides = array<i32>} : memref<5016xf32, #tpu.memory_space<vmem>>, vector<16xf32>,
      %swap3A_60 = vector.shape_cast %swap3A_59 : vector<16xf32> to vector<16xf32>
      %swap3A_61 = vector.shape_cast %broadcast_in_dim3A_56 : vector<16xf32> to vector<16xf32>
      tpu.vector_store %arg16[%swap3A], %swap3A_61 {strides = array<i32>} : memref<5016xf32, #tpu.memory_space<vmem>>, vector<16xf32>,
    }
    %scan3A_24 = arith.constant 313 : i32
    %scan3A_25 = arith.constant 0 : i32
    %scan3A_26 = arith.constant 0 : i32
    %scan3A_27 = arith.constant 40 : i32
    %scan3A_28 = arith.addi %scan3A_26, %scan3A_27 : i32
    %scan3A_29 = arith.constant 1 : i32
    scf.for %scan3A_55 = %scan3A_26 to %scan3A_28 step %scan3A_29  : i32 {
      %broadcast_in_dim3A = arith.constant 0.000000e+00 : f32
      %broadcast_in_dim3A_56 = vector.broadcast %broadcast_in_dim3A : f32 to vector<16xf32>
      %mul3A_57 = arith.constant 16 : i32
      %mul3A_58 = arith.muli %scan3A_55, %mul3A_57 : i32
      %swap3A = arith.index_cast %mul3A_58 : i32 to index
      %swap3A_59 = tpu.vector_load %arg17[%swap3A] {strides = array<i32>} : memref<640xf32, #tpu.memory_space<vmem>>, vector<16xf32>,
      %swap3A_60 = vector.shape_cast %swap3A_59 : vector<16xf32> to vector<16xf32>
      %swap3A_61 = vector.shape_cast %broadcast_in_dim3A_56 : vector<16xf32> to vector<16xf32>
      tpu.vector_store %arg17[%swap3A], %swap3A_61 {strides = array<i32>} : memref<640xf32, #tpu.memory_space<vmem>>, vector<16xf32>,
    }
    %scan3A_30 = arith.constant 40 : i32
    %mul3A_31 = arith.constant 640 : i32
    %mul3A_32 = arith.muli %arg1, %mul3A_31 : i32
    %scan3A_33 = arith.constant 0 : i32
    %scan3A_34 = arith.constant 0 : i32
    %scan3A_35 = arith.constant 40 : i32
    %scan3A_36 = arith.addi %scan3A_34, %scan3A_35 : i32
    %scan3A_37 = arith.constant 1 : i32
    scf.for %scan3A_55 = %scan3A_34 to %scan3A_36 step %scan3A_37  : i32 {
      %mul3A_56 = arith.constant 16 : i32
      %mul3A_57 = arith.muli %scan3A_55, %mul3A_56 : i32
      %add3A_58 = arith.addi %mul3A_32, %mul3A_57 : i32
      "tpu.region"() ({
        %run_scoped3A = tpu.sem_alloc : memref<!tpu.dma_semaphore, #tpu.memory_space<semaphore_mem>>
        %dma_start3A_59 = arith.constant 0 : i32
        %dma_start3A_60 = tpu.memref_slice %arg7[%add3A_58, %dma_start3A_59] : memref<10240x128xf32, #tpu.memory_space<vmem_shared>> -> memref<16x128xf32, #tpu.memory_space<vmem_shared>>
        %dma_start3A_61 = arith.constant 0 : i32
        %dma_start3A_62 = tpu.memref_slice %arg7[%add3A_58, %dma_start3A_61] : memref<10240x128xf32, #tpu.memory_space<vmem_shared>> -> memref<16x128xf32, #tpu.memory_space<vmem_shared>>
        tpu.enqueue_dma source(%arg14 : memref<16x128xf32, #tpu.memory_space<vmem>>) target(%dma_start3A_62 : memref<16x128xf32, #tpu.memory_space<vmem_shared>>) target_semaphore(%run_scoped3A : memref<!tpu.dma_semaphore, #tpu.memory_space<semaphore_mem>>)
        %dma_wait3A = arith.constant 0 : i32
        %dma_wait3A_63 = tpu.memref_slice %arg7[%add3A_58, %dma_wait3A] : memref<10240x128xf32, #tpu.memory_space<vmem_shared>> -> memref<16x128xf32, #tpu.memory_space<vmem_shared>>
        %dma_wait3A_64 = arith.constant 0 : i32
        %dma_wait3A_65 = tpu.memref_slice %arg7[%add3A_58, %dma_wait3A_64] : memref<10240x128xf32, #tpu.memory_space<vmem_shared>> -> memref<16x128xf32, #tpu.memory_space<vmem_shared>>
        tpu.wait_dma2 semaphore(%run_scoped3A : memref<!tpu.dma_semaphore, #tpu.memory_space<semaphore_mem>>) src(%arg14 : memref<16x128xf32, #tpu.memory_space<vmem>>) dst(%dma_wait3A_65 : memref<16x128xf32, #tpu.memory_space<vmem_shared>>)
        tpu.yield
      }) : () -> ()
    }
    %scan3A_38 = arith.constant 40 : i32
    "tpu.region"() ({
      %run_scoped3A = tpu.sem_alloc : memref<!tpu.dma_semaphore, #tpu.memory_space<semaphore_mem>>
      %dma_start3A_55 = tpu.memref_slice %arg15[%mul3A_32] : memref<10240xf32, #tpu.memory_space<vmem_shared>> -> memref<640xf32, #tpu.memory_space<vmem_shared>>
      %dma_start3A_56 = tpu.memref_slice %arg15[%mul3A_32] : memref<10240xf32, #tpu.memory_space<vmem_shared>> -> memref<640xf32, #tpu.memory_space<vmem_shared>>
      tpu.enqueue_dma source(%arg17 : memref<640xf32, #tpu.memory_space<vmem>>) target(%dma_start3A_56 : memref<640xf32, #tpu.memory_space<vmem_shared>>) target_semaphore(%run_scoped3A : memref<!tpu.dma_semaphore, #tpu.memory_space<semaphore_mem>>)
      %dma_wait3A = tpu.memref_slice %arg15[%mul3A_32] : memref<10240xf32, #tpu.memory_space<vmem_shared>> -> memref<640xf32, #tpu.memory_space<vmem_shared>>
      %dma_wait3A_57 = tpu.memref_slice %arg15[%mul3A_32] : memref<10240xf32, #tpu.memory_space<vmem_shared>> -> memref<640xf32, #tpu.memory_space<vmem_shared>>
      tpu.wait_dma2 semaphore(%run_scoped3A : memref<!tpu.dma_semaphore, #tpu.memory_space<semaphore_mem>>) src(%arg17 : memref<640xf32, #tpu.memory_space<vmem>>) dst(%dma_wait3A_57 : memref<640xf32, #tpu.memory_space<vmem_shared>>)
      tpu.yield
    }) : () -> ()
    %barrier3A = arith.constant 0 : index
    tpu.barrier barrier_id(%barrier3A)
    "tpu.region"() ({
      %run_scoped3A = tpu.sem_alloc : memref<!tpu.dma_semaphore, #tpu.memory_space<semaphore_mem>>
      %dma_start3A_55 = arith.constant 0 : i32
      %dma_start3A_56 = tpu.memref_slice %arg16[%dma_start3A_55] : memref<5016xf32, #tpu.memory_space<vmem>> -> memref<5000xf32, #tpu.memory_space<vmem>>
      %dma_start3A_57 = arith.constant 0 : i32
      %dma_start3A_58 = tpu.memref_slice %arg9[%dma_start3A_57] : memref<10000xi32, #tpu.memory_space<vmem>> -> memref<5000xi32, #tpu.memory_space<vmem>>
      %dma_start3A_59 = arith.constant 0 : i32
      %dma_start3A_60 = tpu.memref_slice %arg15[%dma_start3A_59] : memref<10240xf32, #tpu.memory_space<vmem_shared>> -> memref<10240xf32, #tpu.memory_space<vmem_shared>>
      tpu.enqueue_indirect_dma source(%dma_start3A_56 : memref<5000xf32, #tpu.memory_space<vmem>>) target(%dma_start3A_60 : memref<10240xf32, #tpu.memory_space<vmem_shared>>) offsets(%dma_start3A_58 : memref<5000xi32, #tpu.memory_space<vmem>>) semaphore(%run_scoped3A : memref<!tpu.dma_semaphore, #tpu.memory_space<semaphore_mem>>) {add = true}
      %dma_wait3A = arith.constant 0 : i32
      %dma_wait3A_61 = tpu.memref_slice %arg16[%dma_wait3A] : memref<5016xf32, #tpu.memory_space<vmem>> -> memref<5000xf32, #tpu.memory_space<vmem>>
      %dma_wait3A_62 = arith.constant 0 : i32
      %dma_wait3A_63 = tpu.memref_slice %arg9[%dma_wait3A_62] : memref<10000xi32, #tpu.memory_space<vmem>> -> memref<5000xi32, #tpu.memory_space<vmem>>
      %dma_wait3A_64 = arith.constant 0 : i32
      %dma_wait3A_65 = tpu.memref_slice %arg15[%dma_wait3A_64] : memref<10240xf32, #tpu.memory_space<vmem_shared>> -> memref<10240xf32, #tpu.memory_space<vmem_shared>>
      tpu.wait_indirect_dma semaphore(%run_scoped3A : memref<!tpu.dma_semaphore, #tpu.memory_space<semaphore_mem>>) src(%dma_wait3A_61 : memref<5000xf32, #tpu.memory_space<vmem>>) dst(%dma_wait3A_65 : memref<10240xf32, #tpu.memory_space<vmem_shared>>)
      tpu.yield
    }) : () -> ()
    "tpu.region"() ({
      %run_scoped3A = tpu.sem_alloc : memref<!tpu.dma_semaphore, #tpu.memory_space<semaphore_mem>>
      %dma_start3A_55 = arith.constant 0 : i32
      %dma_start3A_56 = tpu.memref_slice %arg16[%dma_start3A_55] : memref<5016xf32, #tpu.memory_space<vmem>> -> memref<5000xf32, #tpu.memory_space<vmem>>
      %dma_start3A_57 = arith.constant 5000 : i32
      %dma_start3A_58 = tpu.memref_slice %arg9[%dma_start3A_57] : memref<10000xi32, #tpu.memory_space<vmem>> -> memref<5000xi32, #tpu.memory_space<vmem>>
      %dma_start3A_59 = arith.constant 0 : i32
      %dma_start3A_60 = tpu.memref_slice %arg15[%dma_start3A_59] : memref<10240xf32, #tpu.memory_space<vmem_shared>> -> memref<10240xf32, #tpu.memory_space<vmem_shared>>
      tpu.enqueue_indirect_dma source(%dma_start3A_56 : memref<5000xf32, #tpu.memory_space<vmem>>) target(%dma_start3A_60 : memref<10240xf32, #tpu.memory_space<vmem_shared>>) offsets(%dma_start3A_58 : memref<5000xi32, #tpu.memory_space<vmem>>) semaphore(%run_scoped3A : memref<!tpu.dma_semaphore, #tpu.memory_space<semaphore_mem>>) {add = true}
      %dma_wait3A = arith.constant 0 : i32
      %dma_wait3A_61 = tpu.memref_slice %arg16[%dma_wait3A] : memref<5016xf32, #tpu.memory_space<vmem>> -> memref<5000xf32, #tpu.memory_space<vmem>>
      %dma_wait3A_62 = arith.constant 5000 : i32
      %dma_wait3A_63 = tpu.memref_slice %arg9[%dma_wait3A_62] : memref<10000xi32, #tpu.memory_space<vmem>> -> memref<5000xi32, #tpu.memory_space<vmem>>
      %dma_wait3A_64 = arith.constant 0 : i32
      %dma_wait3A_65 = tpu.memref_slice %arg15[%dma_wait3A_64] : memref<10240xf32, #tpu.memory_space<vmem_shared>> -> memref<10240xf32, #tpu.memory_space<vmem_shared>>
      tpu.wait_indirect_dma semaphore(%run_scoped3A : memref<!tpu.dma_semaphore, #tpu.memory_space<semaphore_mem>>) src(%dma_wait3A_61 : memref<5000xf32, #tpu.memory_space<vmem>>) dst(%dma_wait3A_65 : memref<10240xf32, #tpu.memory_space<vmem_shared>>)
      tpu.yield
    }) : () -> ()
    %scan3A_39 = arith.constant 0 : i32
    %scan3A_40 = arith.constant 0 : i32
    %scan3A_41 = arith.constant 63 : i32
    %scan3A_42 = arith.addi %scan3A_40, %scan3A_41 : i32
    %scan3A_43 = arith.constant 1 : i32
    scf.for %scan3A_55 = %scan3A_40 to %scan3A_42 step %scan3A_43  : i32 {
      %mul3A_56 = arith.constant 2 : i32
      %mul3A_57 = arith.muli %scan3A_55, %mul3A_56 : i32
      %add3A_58 = arith.constant 0 : i32
      %add3A_59 = arith.addi %mul3A_57, %add3A_58 : i32
      %ge3A = arith.constant 2 : i32
      %ge3A_60 = arith.cmpi sge, %add3A_59, %ge3A : i32
      %lt3A = arith.constant 125 : i32
      %lt3A_61 = arith.cmpi slt, %add3A_59, %lt3A : i32
      %and3A = arith.andi %ge3A_60, %lt3A_61 : i1
      %convert_element_type3A = arith.extui %and3A : i1 to i32
      %cond3A = arith.constant 0 : i32
      %cond3A_62 = arith.cmpi ne, %convert_element_type3A, %cond3A : i32
      scf.if %cond3A_62 {
        %mul3A_94 = arith.constant 80 : i32
        %mul3A_95 = arith.muli %add3A_59, %mul3A_94 : i32
        %dma_start3A_96 = tpu.memref_slice %arg8[%mul3A_95] : memref<10000xi32, #tpu.memory_space<vmem>> -> memref<80xi32, #tpu.memory_space<vmem>>
        %dma_start3A_97 = arith.constant 0 : i32
        %dma_start3A_98 = arith.constant 0 : i32
        %dma_start3A_99 = tpu.memref_slice %arg2[%dma_start3A_97, %dma_start3A_98] : memref<10000x128xf32, #tpu.memory_space<hbm>> -> memref<10000x128xf32, #tpu.memory_space<hbm>>
        tpu.enqueue_indirect_dma source(%dma_start3A_99 : memref<10000x128xf32, #tpu.memory_space<hbm>>) target(%arg10 : memref<80x128xf32, #tpu.memory_space<vmem>>) offsets(%dma_start3A_96 : memref<80xi32, #tpu.memory_space<vmem>>) semaphore(%arg12 : memref<!tpu.dma_semaphore, #tpu.memory_space<semaphore_mem>>)
      } else {
      }
      %sub3A = arith.constant 1 : i32
      %sub3A_63 = arith.subi %add3A_59, %sub3A : i32
      %ge3A_64 = arith.constant 0 : i32
      %ge3A_65 = arith.cmpi sge, %sub3A_63, %ge3A_64 : i32
      %lt3A_66 = arith.constant 125 : i32
      %lt3A_67 = arith.cmpi slt, %sub3A_63, %lt3A_66 : i32
      %and3A_68 = arith.andi %ge3A_65, %lt3A_67 : i1
      %convert_element_type3A_69 = arith.extui %and3A_68 : i1 to i32
      %cond3A_70 = arith.constant 0 : i32
      %cond3A_71 = arith.cmpi ne, %convert_element_type3A_69, %cond3A_70 : i32
      scf.if %cond3A_71 {
        %mul3A_94 = arith.constant 80 : i32
        %mul3A_95 = arith.muli %sub3A_63, %mul3A_94 : i32
        %dma_wait3A = arith.constant 0 : i32
        %dma_wait3A_96 = arith.constant 0 : i32
        %dma_wait3A_97 = tpu.memref_slice %arg2[%dma_wait3A, %dma_wait3A_96] : memref<10000x128xf32, #tpu.memory_space<hbm>> -> memref<80x128xf32, #tpu.memory_space<hbm>>
        %dma_wait3A_98 = arith.constant 0 : i32
        %dma_wait3A_99 = arith.constant 0 : i32
        %dma_wait3A_100 = tpu.memref_slice %arg2[%dma_wait3A_98, %dma_wait3A_99] : memref<10000x128xf32, #tpu.memory_space<hbm>> -> memref<80x128xf32, #tpu.memory_space<hbm>>
        tpu.wait_dma2 semaphore(%arg13 : memref<!tpu.dma_semaphore, #tpu.memory_space<semaphore_mem>>) src(%dma_wait3A_100 : memref<80x128xf32, #tpu.memory_space<hbm>>) dst(%arg11 : memref<80x128xf32, #tpu.memory_space<vmem>>)
        "tpu.region"() ({
          %run_scoped3A = tpu.sem_alloc : memref<!tpu.dma_semaphore, #tpu.memory_space<semaphore_mem>>
          %dma_start3A_101 = tpu.memref_slice %arg9[%mul3A_95] : memref<10000xi32, #tpu.memory_space<vmem>> -> memref<80xi32, #tpu.memory_space<vmem>>
          %dma_start3A_102 = arith.constant 0 : i32
          %dma_start3A_103 = arith.constant 0 : i32
          %dma_start3A_104 = tpu.memref_slice %arg7[%dma_start3A_102, %dma_start3A_103] : memref<10240x128xf32, #tpu.memory_space<vmem_shared>> -> memref<10240x128xf32, #tpu.memory_space<vmem_shared>>
          tpu.enqueue_indirect_dma source(%arg11 : memref<80x128xf32, #tpu.memory_space<vmem>>) target(%dma_start3A_104 : memref<10240x128xf32, #tpu.memory_space<vmem_shared>>) offsets(%dma_start3A_101 : memref<80xi32, #tpu.memory_space<vmem>>) semaphore(%run_scoped3A : memref<!tpu.dma_semaphore, #tpu.memory_space<semaphore_mem>>) {add = true}
          %dma_wait3A_105 = tpu.memref_slice %arg9[%mul3A_95] : memref<10000xi32, #tpu.memory_space<vmem>> -> memref<80xi32, #tpu.memory_space<vmem>>
          %dma_wait3A_106 = arith.constant 0 : i32
          %dma_wait3A_107 = arith.constant 0 : i32
          %dma_wait3A_108 = tpu.memref_slice %arg7[%dma_wait3A_106, %dma_wait3A_107] : memref<10240x128xf32, #tpu.memory_space<vmem_shared>> -> memref<10240x128xf32, #tpu.memory_space<vmem_shared>>
          tpu.wait_indirect_dma semaphore(%run_scoped3A : memref<!tpu.dma_semaphore, #tpu.memory_space<semaphore_mem>>) src(%arg11 : memref<80x128xf32, #tpu.memory_space<vmem>>) dst(%dma_wait3A_108 : memref<10240x128xf32, #tpu.memory_space<vmem_shared>>)
          tpu.yield
        }) : () -> ()
      } else {
      }
      %mul3A_72 = arith.constant 2 : i32
      %mul3A_73 = arith.muli %scan3A_55, %mul3A_72 : i32
      %add3A_74 = arith.constant 1 : i32
      %add3A_75 = arith.addi %mul3A_73, %add3A_74 : i32
      %ge3A_76 = arith.constant 2 : i32
      %ge3A_77 = arith.cmpi sge, %add3A_75, %ge3A_76 : i32
      %lt3A_78 = arith.constant 125 : i32
      %lt3A_79 = arith.cmpi slt, %add3A_75, %lt3A_78 : i32
      %and3A_80 = arith.andi %ge3A_77, %lt3A_79 : i1
      %convert_element_type3A_81 = arith.extui %and3A_80 : i1 to i32
      %cond3A_82 = arith.constant 0 : i32
      %cond3A_83 = arith.cmpi ne, %convert_element_type3A_81, %cond3A_82 : i32
      scf.if %cond3A_83 {
        %mul3A_94 = arith.constant 80 : i32
        %mul3A_95 = arith.muli %add3A_75, %mul3A_94 : i32
        %dma_start3A_96 = tpu.memref_slice %arg8[%mul3A_95] : memref<10000xi32, #tpu.memory_space<vmem>> -> memref<80xi32, #tpu.memory_space<vmem>>
        %dma_start3A_97 = arith.constant 0 : i32
        %dma_start3A_98 = arith.constant 0 : i32
        %dma_start3A_99 = tpu.memref_slice %arg2[%dma_start3A_97, %dma_start3A_98] : memref<10000x128xf32, #tpu.memory_space<hbm>> -> memref<10000x128xf32, #tpu.memory_space<hbm>>
        tpu.enqueue_indirect_dma source(%dma_start3A_99 : memref<10000x128xf32, #tpu.memory_space<hbm>>) target(%arg11 : memref<80x128xf32, #tpu.memory_space<vmem>>) offsets(%dma_start3A_96 : memref<80xi32, #tpu.memory_space<vmem>>) semaphore(%arg13 : memref<!tpu.dma_semaphore, #tpu.memory_space<semaphore_mem>>)
      } else {
      }
      %sub3A_84 = arith.constant 1 : i32
      %sub3A_85 = arith.subi %add3A_75, %sub3A_84 : i32
      %ge3A_86 = arith.constant 0 : i32
      %ge3A_87 = arith.cmpi sge, %sub3A_85, %ge3A_86 : i32
      %lt3A_88 = arith.constant 125 : i32
      %lt3A_89 = arith.cmpi slt, %sub3A_85, %lt3A_88 : i32
      %and3A_90 = arith.andi %ge3A_87, %lt3A_89 : i1
      %convert_element_type3A_91 = arith.extui %and3A_90 : i1 to i32
      %cond3A_92 = arith.constant 0 : i32
      %cond3A_93 = arith.cmpi ne, %convert_element_type3A_91, %cond3A_92 : i32
      scf.if %cond3A_93 {
        %mul3A_94 = arith.constant 80 : i32
        %mul3A_95 = arith.muli %sub3A_85, %mul3A_94 : i32
        %dma_wait3A = arith.constant 0 : i32
        %dma_wait3A_96 = arith.constant 0 : i32
        %dma_wait3A_97 = tpu.memref_slice %arg2[%dma_wait3A, %dma_wait3A_96] : memref<10000x128xf32, #tpu.memory_space<hbm>> -> memref<80x128xf32, #tpu.memory_space<hbm>>
        %dma_wait3A_98 = arith.constant 0 : i32
        %dma_wait3A_99 = arith.constant 0 : i32
        %dma_wait3A_100 = tpu.memref_slice %arg2[%dma_wait3A_98, %dma_wait3A_99] : memref<10000x128xf32, #tpu.memory_space<hbm>> -> memref<80x128xf32, #tpu.memory_space<hbm>>
        tpu.wait_dma2 semaphore(%arg12 : memref<!tpu.dma_semaphore, #tpu.memory_space<semaphore_mem>>) src(%dma_wait3A_100 : memref<80x128xf32, #tpu.memory_space<hbm>>) dst(%arg10 : memref<80x128xf32, #tpu.memory_space<vmem>>)
        "tpu.region"() ({
          %run_scoped3A = tpu.sem_alloc : memref<!tpu.dma_semaphore, #tpu.memory_space<semaphore_mem>>
          %dma_start3A_101 = tpu.memref_slice %arg9[%mul3A_95] : memref<10000xi32, #tpu.memory_space<vmem>> -> memref<80xi32, #tpu.memory_space<vmem>>
          %dma_start3A_102 = arith.constant 0 : i32
          %dma_start3A_103 = arith.constant 0 : i32
          %dma_start3A_104 = tpu.memref_slice %arg7[%dma_start3A_102, %dma_start3A_103] : memref<10240x128xf32, #tpu.memory_space<vmem_shared>> -> memref<10240x128xf32, #tpu.memory_space<vmem_shared>>
          tpu.enqueue_indirect_dma source(%arg10 : memref<80x128xf32, #tpu.memory_space<vmem>>) target(%dma_start3A_104 : memref<10240x128xf32, #tpu.memory_space<vmem_shared>>) offsets(%dma_start3A_101 : memref<80xi32, #tpu.memory_space<vmem>>) semaphore(%run_scoped3A : memref<!tpu.dma_semaphore, #tpu.memory_space<semaphore_mem>>) {add = true}
          %dma_wait3A_105 = tpu.memref_slice %arg9[%mul3A_95] : memref<10000xi32, #tpu.memory_space<vmem>> -> memref<80xi32, #tpu.memory_space<vmem>>
          %dma_wait3A_106 = arith.constant 0 : i32
          %dma_wait3A_107 = arith.constant 0 : i32
          %dma_wait3A_108 = tpu.memref_slice %arg7[%dma_wait3A_106, %dma_wait3A_107] : memref<10240x128xf32, #tpu.memory_space<vmem_shared>> -> memref<10240x128xf32, #tpu.memory_space<vmem_shared>>
          tpu.wait_indirect_dma semaphore(%run_scoped3A : memref<!tpu.dma_semaphore, #tpu.memory_space<semaphore_mem>>) src(%arg10 : memref<80x128xf32, #tpu.memory_space<vmem>>) dst(%dma_wait3A_108 : memref<10240x128xf32, #tpu.memory_space<vmem_shared>>)
          tpu.yield
        }) : () -> ()
      } else {
      }
    }
    %scan3A_44 = arith.constant 63 : i32
    %barrier3A_45 = arith.constant 0 : index
    tpu.barrier barrier_id(%barrier3A_45)
    %mul3A_46 = arith.constant 10240 : i32
    %mul3A_47 = arith.muli %arg0, %mul3A_46 : i32
    %mul3A_48 = arith.constant 640 : i32
    %mul3A_49 = arith.muli %arg1, %mul3A_48 : i32
    %add3A_50 = arith.addi %mul3A_47, %mul3A_49 : i32
    %mul3A_51 = arith.constant 640 : i32
    %mul3A_52 = arith.muli %arg1, %mul3A_51 : i32
    "tpu.region"() ({
      %run_scoped3A = tpu.sem_alloc : memref<!tpu.dma_semaphore, #tpu.memory_space<semaphore_mem>>
      %dma_start3A_55 = arith.constant 0 : i32
      %dma_start3A_56 = tpu.memref_slice %arg5[%add3A_50, %dma_start3A_55] : memref<20480x128xf32, #tpu.memory_space<hbm>> -> memref<640x128xf32, #tpu.memory_space<hbm>>
      %dma_start3A_57 = arith.constant 0 : i32
      %dma_start3A_58 = tpu.memref_slice %arg7[%mul3A_52, %dma_start3A_57] : memref<10240x128xf32, #tpu.memory_space<vmem_shared>> -> memref<640x128xf32, #tpu.memory_space<vmem_shared>>
      tpu.enqueue_dma source(%dma_start3A_58 : memref<640x128xf32, #tpu.memory_space<vmem_shared>>) target(%dma_start3A_56 : memref<640x128xf32, #tpu.memory_space<hbm>>) target_semaphore(%run_scoped3A : memref<!tpu.dma_semaphore, #tpu.memory_space<semaphore_mem>>)
      %dma_wait3A = arith.constant 0 : i32
      %dma_wait3A_59 = tpu.memref_slice %arg5[%add3A_50, %dma_wait3A] : memref<20480x128xf32, #tpu.memory_space<hbm>> -> memref<640x128xf32, #tpu.memory_space<hbm>>
      %dma_wait3A_60 = arith.constant 0 : i32
      %dma_wait3A_61 = tpu.memref_slice %arg7[%mul3A_52, %dma_wait3A_60] : memref<10240x128xf32, #tpu.memory_space<vmem_shared>> -> memref<640x128xf32, #tpu.memory_space<vmem_shared>>
      tpu.wait_dma2 semaphore(%run_scoped3A : memref<!tpu.dma_semaphore, #tpu.memory_space<semaphore_mem>>) src(%dma_wait3A_61 : memref<640x128xf32, #tpu.memory_space<vmem_shared>>) dst(%dma_wait3A_59 : memref<640x128xf32, #tpu.memory_space<hbm>>)
      tpu.yield
    }) : () -> ()
    %mul3A_53 = arith.constant 640 : i32
    %mul3A_54 = arith.muli %arg1, %mul3A_53 : i32
    "tpu.region"() ({
      %run_scoped3A = tpu.sem_alloc : memref<!tpu.dma_semaphore, #tpu.memory_space<semaphore_mem>>
      %dma_start3A_55 = tpu.memref_slice %arg6[%add3A_50] : memref<20480xf32, #tpu.memory_space<hbm>> -> memref<640xf32, #tpu.memory_space<hbm>>
      %dma_start3A_56 = tpu.memref_slice %arg15[%mul3A_54] : memref<10240xf32, #tpu.memory_space<vmem_shared>> -> memref<640xf32, #tpu.memory_space<vmem_shared>>
      tpu.enqueue_dma source(%dma_start3A_56 : memref<640xf32, #tpu.memory_space<vmem_shared>>) target(%dma_start3A_55 : memref<640xf32, #tpu.memory_space<hbm>>) target_semaphore(%run_scoped3A : memref<!tpu.dma_semaphore, #tpu.memory_space<semaphore_mem>>)
      %dma_wait3A = tpu.memref_slice %arg6[%add3A_50] : memref<20480xf32, #tpu.memory_space<hbm>> -> memref<640xf32, #tpu.memory_space<hbm>>
      %dma_wait3A_57 = tpu.memref_slice %arg15[%mul3A_54] : memref<10240xf32, #tpu.memory_space<vmem_shared>> -> memref<640xf32, #tpu.memory_space<vmem_shared>>
      tpu.wait_dma2 semaphore(%run_scoped3A : memref<!tpu.dma_semaphore, #tpu.memory_space<semaphore_mem>>) src(%dma_wait3A_57 : memref<640xf32, #tpu.memory_space<vmem_shared>>) dst(%dma_wait3A : memref<640xf32, #tpu.memory_space<hbm>>)
      tpu.yield
    }) : () -> ()
    return
  }
}

module attributes {stable_mosaic.version = 14 : i64} {
  func.func @_tc1_body(%arg0: i32, %arg1: memref<2048x128xf32, #tpu.memory_space<vmem>>, %arg2: memref<2048x128xf32, #tpu.memory_space<vmem>>, %arg3: memref<2048x1xf32, #tpu.memory_space<vmem>>, %arg4: memref<2048x1xf32, #tpu.memory_space<vmem>>, %arg5: memref<2048x128xf32, #tpu.memory_space<vmem>>, %arg6: memref<128x128xf32, #tpu.memory_space<vmem>>, %arg7: memref<1x128xf32, #tpu.memory_space<vmem>>, %arg8: memref<128x128xf32, #tpu.memory_space<vmem>>, %arg9: memref<2048x128xf32, #tpu.memory_space<vmem>>, %arg10: memref<1x128xf32, #tpu.memory_space<vmem>>, %arg11: memref<1x128xf32, #tpu.memory_space<vmem>>, %arg12: memref<1x128xf32, #tpu.memory_space<vmem>>, %arg13: memref<1x128xf32, #tpu.memory_space<vmem>>) attributes {dimension_semantics = [#tpu.dimension_semantics<arbitrary>], iteration_bounds = array<i64: 5>, scalar_prefetch = 0 : i64, scratch_operands = 2 : i64, tpu.core_type = #tpu.core_type<tc>, window_params = [{transform_indices = @transform_0, window_bounds = array<i64: 2048, 128>}, {transform_indices = @transform_1, window_bounds = array<i64: 2048, 128>}, {transform_indices = @transform_2, window_bounds = array<i64: 2048, 1>}, {transform_indices = @transform_3, window_bounds = array<i64: 2048, 1>}, {transform_indices = @transform_4, window_bounds = array<i64: 2048, 128>}, {pipeline_mode = #tpu.pipeline_mode<synchronous>, transform_indices = @transform_5, window_bounds = array<i64: 128, 128>}, {pipeline_mode = #tpu.pipeline_mode<synchronous>, transform_indices = @transform_6, window_bounds = array<i64: 1, 128>}, {pipeline_mode = #tpu.pipeline_mode<synchronous>, transform_indices = @transform_7, window_bounds = array<i64: 128, 128>}, {transform_indices = @transform_8, window_bounds = array<i64: 2048, 128>}, {pipeline_mode = #tpu.pipeline_mode<synchronous>, transform_indices = @transform_9, window_bounds = array<i64: 1, 128>}, {pipeline_mode = #tpu.pipeline_mode<synchronous>, transform_indices = @transform_10, window_bounds = array<i64: 1, 128>}]} {
    %get3A = arith.constant 0 : index
    %get3A_0 = arith.constant 0 : index
    %get3A_1 = vector.load %arg1[%get3A, %get3A_0] : memref<2048x128xf32, #tpu.memory_space<vmem>>, vector<2048x128xf32>
    %get3A_2 = arith.constant 0 : index
    %get3A_3 = arith.constant 0 : index
    %get3A_4 = vector.load %arg2[%get3A_2, %get3A_3] : memref<2048x128xf32, #tpu.memory_space<vmem>>, vector<2048x128xf32>
    %add3A = arith.addf %get3A_1, %get3A_4 : vector<2048x128xf32>
    %get3A_5 = arith.constant 0 : index
    %get3A_6 = arith.constant 0 : index
    %get3A_7 = vector.load %arg3[%get3A_5, %get3A_6] : memref<2048x1xf32, #tpu.memory_space<vmem>>, vector<2048x1xf32>
    %get3A_8 = arith.constant 0 : index
    %get3A_9 = arith.constant 0 : index
    %get3A_10 = vector.load %arg4[%get3A_8, %get3A_9] : memref<2048x1xf32, #tpu.memory_space<vmem>>, vector<2048x1xf32>
    %add3A_11 = arith.addf %get3A_7, %get3A_10 : vector<2048x1xf32>
    %max3A = arith.constant 1.000000e+00 : f32
    %max3A_12 = vector.broadcast %max3A : f32 to vector<2048x1xf32>
    %max3A_13 = arith.maximumf %add3A_11, %max3A_12 : vector<2048x1xf32>
    %div3A = vector.broadcast %max3A_13 : vector<2048x1xf32> to vector<2048x128xf32>
    %div3A_14 = arith.divf %add3A, %div3A : vector<2048x128xf32>
    %get3A_15 = arith.constant 0 : index
    %get3A_16 = arith.constant 0 : index
    %get3A_17 = vector.load %arg6[%get3A_15, %get3A_16] : memref<128x128xf32, #tpu.memory_space<vmem>>, vector<128x128xf32>
    %dot_general3A = arith.constant dense<0.000000e+00> : vector<2048x128xf32>
    %dot_general3A_18 = tpu.matmul %div3A_14, %get3A_17, %dot_general3A {dimension_numbers = #tpu.dot_dimension_numbers<[1], [1], [0], [0], [0, 0, 1, 0], [], []>, transpose_lhs_hint = false} : vector<2048x128xf32>, vector<128x128xf32>, vector<2048x128xf32> -> vector<2048x128xf32>
    %get3A_19 = arith.constant 0 : index
    %get3A_20 = arith.constant 0 : index
    %get3A_21 = vector.load %arg7[%get3A_19, %get3A_20] : memref<1x128xf32, #tpu.memory_space<vmem>>, vector<1x128xf32>
    %add3A_22 = vector.broadcast %get3A_21 : vector<1x128xf32> to vector<2048x128xf32>
    %add3A_23 = arith.addf %dot_general3A_18, %add3A_22 : vector<2048x128xf32>
    %get3A_24 = arith.constant 0 : index
    %get3A_25 = arith.constant 0 : index
    %get3A_26 = vector.load %arg5[%get3A_24, %get3A_25] : memref<2048x128xf32, #tpu.memory_space<vmem>>, vector<2048x128xf32>
    %get3A_27 = arith.constant 0 : index
    %get3A_28 = arith.constant 0 : index
    %get3A_29 = vector.load %arg8[%get3A_27, %get3A_28] : memref<128x128xf32, #tpu.memory_space<vmem>>, vector<128x128xf32>
    %dot_general3A_30 = arith.constant dense<0.000000e+00> : vector<2048x128xf32>
    %dot_general3A_31 = tpu.matmul %get3A_26, %get3A_29, %dot_general3A_30 {dimension_numbers = #tpu.dot_dimension_numbers<[1], [1], [0], [0], [0, 0, 1, 0], [], []>, transpose_lhs_hint = false} : vector<2048x128xf32>, vector<128x128xf32>, vector<2048x128xf32> -> vector<2048x128xf32>
    %add3A_32 = arith.addf %add3A_23, %dot_general3A_31 : vector<2048x128xf32>
    %mul3A = arith.mulf %add3A_32, %add3A_32 : vector<2048x128xf32>
    %reduce_sum3A = arith.constant dense<0.000000e+00> : vector<2048xf32>
    %reduce_sum3A_33 = vector.multi_reduction <add>, %mul3A, %reduce_sum3A [1] : vector<2048x128xf32> to vector<2048xf32>
    %broadcast_in_dim3A = vector.shape_cast %reduce_sum3A_33 : vector<2048xf32> to vector<2048x1xf32>
    %sqrt3A = math.sqrt %broadcast_in_dim3A : vector<2048x1xf32>
    %max3A_34 = arith.constant 9.99999996E-13 : f32
    %max3A_35 = vector.broadcast %max3A_34 : f32 to vector<2048x1xf32>
    %max3A_36 = arith.maximumf %sqrt3A, %max3A_35 : vector<2048x1xf32>
    %div3A_37 = vector.broadcast %max3A_36 : vector<2048x1xf32> to vector<2048x128xf32>
    %div3A_38 = arith.divf %add3A_32, %div3A_37 : vector<2048x128xf32>
    %max3A_39 = arith.constant 0.000000e+00 : f32
    %max3A_40 = vector.broadcast %max3A_39 : f32 to vector<2048x128xf32>
    %max3A_41 = arith.maximumf %div3A_38, %max3A_40 : vector<2048x128xf32>
    %swap3A = arith.constant 0 : index
    %swap3A_42 = arith.constant 0 : index
    %swap3A_43 = vector.load %arg9[%swap3A, %swap3A_42] : memref<2048x128xf32, #tpu.memory_space<vmem>>, vector<2048x128xf32>
    tpu.vector_store %arg9[%swap3A, %swap3A_42], %max3A_41 {strides = array<i32>} : memref<2048x128xf32, #tpu.memory_space<vmem>>, vector<2048x128xf32>,
    %mul3A_44 = arith.constant 2048 : i32
    %mul3A_45 = arith.muli %arg0, %mul3A_44 : i32
    %iota3A = tpu.iota {dimensions = array<i32: 0>} : vector<2048x1xi32>
    %add3A_46 = vector.broadcast %mul3A_45 : i32 to vector<2048x1xi32>
    %add3A_47 = arith.addi %add3A_46, %iota3A : vector<2048x1xi32>
    %lt3A = arith.constant 10000 : i32
    %lt3A_48 = vector.broadcast %lt3A : i32 to vector<2048x1xi32>
    %lt3A_49 = arith.cmpi slt, %add3A_47, %lt3A_48 : vector<2048x1xi32>
    %jit3A = arith.constant 0.000000e+00 : f32
    %broadcast_in_dim3A_50 = vector.shape_cast %lt3A_49 : vector<2048x1xi1> to vector<2048x1xi1>
    %broadcast_in_dim3A_51 = vector.broadcast %broadcast_in_dim3A_50 : vector<2048x1xi1> to vector<2048x128xi1>
    %broadcast_in_dim3A_52 = vector.broadcast %jit3A : f32 to vector<2048x128xf32>
    %select_n3A = arith.select %broadcast_in_dim3A_51, %max3A_41, %broadcast_in_dim3A_52 : vector<2048x128xi1>, vector<2048x128xf32>
    %reduce_sum3A_53 = arith.constant dense<0.000000e+00> : vector<128xf32>
    %reduce_sum3A_54 = vector.multi_reduction <add>, %select_n3A, %reduce_sum3A_53 [0] : vector<2048x128xf32> to vector<128xf32>
    %broadcast_in_dim3A_55 = vector.shape_cast %reduce_sum3A_54 : vector<128xf32> to vector<1x128xf32>
    %mul3A_56 = arith.mulf %select_n3A, %select_n3A : vector<2048x128xf32>
    %reduce_sum3A_57 = arith.constant dense<0.000000e+00> : vector<128xf32>
    %reduce_sum3A_58 = vector.multi_reduction <add>, %mul3A_56, %reduce_sum3A_57 [0] : vector<2048x128xf32> to vector<128xf32>
    %broadcast_in_dim3A_59 = vector.shape_cast %reduce_sum3A_58 : vector<128xf32> to vector<1x128xf32>
    %eq3A = arith.constant 0 : i32
    %eq3A_60 = arith.cmpi eq, %arg0, %eq3A : i32
    %convert_element_type3A = arith.extui %eq3A_60 : i1 to i32
    %cond3A = arith.constant 0 : i32
    %cond3A_61 = arith.cmpi ne, %convert_element_type3A, %cond3A : i32
    scf.if %cond3A_61 {
      %swap3A_71 = arith.constant 0 : index
      %swap3A_72 = arith.constant 0 : index
      %swap3A_73 = vector.load %arg12[%swap3A_71, %swap3A_72] : memref<1x128xf32, #tpu.memory_space<vmem>>, vector<1x128xf32>
      tpu.vector_store %arg12[%swap3A_71, %swap3A_72], %broadcast_in_dim3A_55 {strides = array<i32>} : memref<1x128xf32, #tpu.memory_space<vmem>>, vector<1x128xf32>,
      %swap3A_74 = arith.constant 0 : index
      %swap3A_75 = arith.constant 0 : index
      %swap3A_76 = vector.load %arg13[%swap3A_74, %swap3A_75] : memref<1x128xf32, #tpu.memory_space<vmem>>, vector<1x128xf32>
      tpu.vector_store %arg13[%swap3A_74, %swap3A_75], %broadcast_in_dim3A_59 {strides = array<i32>} : memref<1x128xf32, #tpu.memory_space<vmem>>, vector<1x128xf32>,
    } else {
    }
    %gt3A = arith.constant 0 : i32
    %gt3A_62 = arith.cmpi sgt, %arg0, %gt3A : i32
    %convert_element_type3A_63 = arith.extui %gt3A_62 : i1 to i32
    %cond3A_64 = arith.constant 0 : i32
    %cond3A_65 = arith.cmpi ne, %convert_element_type3A_63, %cond3A_64 : i32
    scf.if %cond3A_65 {
      %get3A_71 = arith.constant 0 : index
      %get3A_72 = arith.constant 0 : index
      %get3A_73 = vector.load %arg12[%get3A_71, %get3A_72] : memref<1x128xf32, #tpu.memory_space<vmem>>, vector<1x128xf32>
      %add3A_74 = arith.addf %get3A_73, %broadcast_in_dim3A_55 : vector<1x128xf32>
      %swap3A_75 = arith.constant 0 : index
      %swap3A_76 = arith.constant 0 : index
      %swap3A_77 = vector.load %arg12[%swap3A_75, %swap3A_76] : memref<1x128xf32, #tpu.memory_space<vmem>>, vector<1x128xf32>
      tpu.vector_store %arg12[%swap3A_75, %swap3A_76], %add3A_74 {strides = array<i32>} : memref<1x128xf32, #tpu.memory_space<vmem>>, vector<1x128xf32>,
      %get3A_78 = arith.constant 0 : index
      %get3A_79 = arith.constant 0 : index
      %get3A_80 = vector.load %arg13[%get3A_78, %get3A_79] : memref<1x128xf32, #tpu.memory_space<vmem>>, vector<1x128xf32>
      %add3A_81 = arith.addf %get3A_80, %broadcast_in_dim3A_59 : vector<1x128xf32>
      %swap3A_82 = arith.constant 0 : index
      %swap3A_83 = arith.constant 0 : index
      %swap3A_84 = vector.load %arg13[%swap3A_82, %swap3A_83] : memref<1x128xf32, #tpu.memory_space<vmem>>, vector<1x128xf32>
      tpu.vector_store %arg13[%swap3A_82, %swap3A_83], %add3A_81 {strides = array<i32>} : memref<1x128xf32, #tpu.memory_space<vmem>>, vector<1x128xf32>,
    } else {
    }
    %eq3A_66 = arith.constant 4 : i32
    %eq3A_67 = arith.cmpi eq, %arg0, %eq3A_66 : i32
    %convert_element_type3A_68 = arith.extui %eq3A_67 : i1 to i32
    %cond3A_69 = arith.constant 0 : i32
    %cond3A_70 = arith.cmpi ne, %convert_element_type3A_68, %cond3A_69 : i32
    scf.if %cond3A_70 {
      %get3A_71 = arith.constant 0 : index
      %get3A_72 = arith.constant 0 : index
      %get3A_73 = vector.load %arg12[%get3A_71, %get3A_72] : memref<1x128xf32, #tpu.memory_space<vmem>>, vector<1x128xf32>
      %swap3A_74 = arith.constant 0 : index
      %swap3A_75 = arith.constant 0 : index
      %swap3A_76 = vector.load %arg10[%swap3A_74, %swap3A_75] : memref<1x128xf32, #tpu.memory_space<vmem>>, vector<1x128xf32>
      tpu.vector_store %arg10[%swap3A_74, %swap3A_75], %get3A_73 {strides = array<i32>} : memref<1x128xf32, #tpu.memory_space<vmem>>, vector<1x128xf32>,
      %get3A_77 = arith.constant 0 : index
      %get3A_78 = arith.constant 0 : index
      %get3A_79 = vector.load %arg13[%get3A_77, %get3A_78] : memref<1x128xf32, #tpu.memory_space<vmem>>, vector<1x128xf32>
      %swap3A_80 = arith.constant 0 : index
      %swap3A_81 = arith.constant 0 : index
      %swap3A_82 = vector.load %arg11[%swap3A_80, %swap3A_81] : memref<1x128xf32, #tpu.memory_space<vmem>>, vector<1x128xf32>
      tpu.vector_store %arg11[%swap3A_80, %swap3A_81], %get3A_79 {strides = array<i32>} : memref<1x128xf32, #tpu.memory_space<vmem>>, vector<1x128xf32>,
    } else {
    }
    return
  }
  func.func @transform_0(%arg0: i32) -> (i32, i32) {
    %c0_i32 = arith.constant 0 : i32
    %c0_i32_0 = arith.constant 0 : i32
    return %arg0, %c0_i32 : i32, i32
  }
  func.func @transform_1(%arg0: i32) -> (i32, i32) {
    %add3A = arith.constant 5 : i32
    %add3A_0 = arith.addi %arg0, %add3A : i32
    %c0_i32 = arith.constant 0 : i32
    %c0_i32_1 = arith.constant 0 : i32
    return %add3A_0, %c0_i32 : i32, i32
  }
  func.func @transform_2(%arg0: i32) -> (i32, i32) {
    %c0_i32 = arith.constant 0 : i32
    %c0_i32_0 = arith.constant 0 : i32
    return %arg0, %c0_i32 : i32, i32
  }
  func.func @transform_3(%arg0: i32) -> (i32, i32) {
    %c0_i32 = arith.constant 0 : i32
    %c0_i32_0 = arith.constant 0 : i32
    return %arg0, %c0_i32 : i32, i32
  }
  func.func @transform_4(%arg0: i32) -> (i32, i32) {
    %c0_i32 = arith.constant 0 : i32
    %c0_i32_0 = arith.constant 0 : i32
    return %arg0, %c0_i32 : i32, i32
  }
  func.func @transform_5(%arg0: i32) -> (i32, i32) {
    %c0_i32 = arith.constant 0 : i32
    %c0_i32_0 = arith.constant 0 : i32
    %c0_i32_1 = arith.constant 0 : i32
    return %c0_i32, %c0_i32_0 : i32, i32
  }
  func.func @transform_6(%arg0: i32) -> (i32, i32) {
    %c0_i32 = arith.constant 0 : i32
    %c0_i32_0 = arith.constant 0 : i32
    %c0_i32_1 = arith.constant 0 : i32
    return %c0_i32, %c0_i32_0 : i32, i32
  }
  func.func @transform_7(%arg0: i32) -> (i32, i32) {
    %c0_i32 = arith.constant 0 : i32
    %c0_i32_0 = arith.constant 0 : i32
    %c0_i32_1 = arith.constant 0 : i32
    return %c0_i32, %c0_i32_0 : i32, i32
  }
  func.func @transform_8(%arg0: i32) -> (i32, i32) {
    %c0_i32 = arith.constant 0 : i32
    %c0_i32_0 = arith.constant 0 : i32
    return %arg0, %c0_i32 : i32, i32
  }
  func.func @transform_9(%arg0: i32) -> (i32, i32) {
    %c0_i32 = arith.constant 0 : i32
    %c0_i32_0 = arith.constant 0 : i32
    %c0_i32_1 = arith.constant 0 : i32
    return %c0_i32, %c0_i32_0 : i32, i32
  }
  func.func @transform_10(%arg0: i32) -> (i32, i32) {
    %c0_i32 = arith.constant 0 : i32
    %c0_i32_0 = arith.constant 0 : i32
    %c0_i32_1 = arith.constant 0 : i32
    return %c0_i32, %c0_i32_0 : i32, i32
  }
}

module attributes {stable_mosaic.version = 14 : i64} {
  func.func @_tc2_body(%arg0: i32, %arg1: memref<2048x128xf32, #tpu.memory_space<vmem>>, %arg2: memref<2048x128xf32, #tpu.memory_space<vmem>>, %arg3: memref<2048x1xf32, #tpu.memory_space<vmem>>, %arg4: memref<2048x1xf32, #tpu.memory_space<vmem>>, %arg5: memref<2048x128xf32, #tpu.memory_space<vmem>>, %arg6: memref<1x128xf32, #tpu.memory_space<vmem>>, %arg7: memref<1x128xf32, #tpu.memory_space<vmem>>, %arg8: memref<1x128xf32, #tpu.memory_space<vmem>>, %arg9: memref<1x128xf32, #tpu.memory_space<vmem>>, %arg10: memref<128x128xf32, #tpu.memory_space<vmem>>, %arg11: memref<1x128xf32, #tpu.memory_space<vmem>>, %arg12: memref<128x128xf32, #tpu.memory_space<vmem>>, %arg13: memref<2048x128xf32, #tpu.memory_space<vmem>>) attributes {dimension_semantics = [#tpu.dimension_semantics<arbitrary>], iteration_bounds = array<i64: 5>, scalar_prefetch = 0 : i64, scratch_operands = 0 : i64, tpu.core_type = #tpu.core_type<tc>, window_params = [{transform_indices = @transform_0, window_bounds = array<i64: 2048, 128>}, {transform_indices = @transform_1, window_bounds = array<i64: 2048, 128>}, {transform_indices = @transform_2, window_bounds = array<i64: 2048, 1>}, {transform_indices = @transform_3, window_bounds = array<i64: 2048, 1>}, {transform_indices = @transform_4, window_bounds = array<i64: 2048, 128>}, {pipeline_mode = #tpu.pipeline_mode<synchronous>, transform_indices = @transform_5, window_bounds = array<i64: 1, 128>}, {pipeline_mode = #tpu.pipeline_mode<synchronous>, transform_indices = @transform_6, window_bounds = array<i64: 1, 128>}, {pipeline_mode = #tpu.pipeline_mode<synchronous>, transform_indices = @transform_7, window_bounds = array<i64: 1, 128>}, {pipeline_mode = #tpu.pipeline_mode<synchronous>, transform_indices = @transform_8, window_bounds = array<i64: 1, 128>}, {pipeline_mode = #tpu.pipeline_mode<synchronous>, transform_indices = @transform_9, window_bounds = array<i64: 128, 128>}, {pipeline_mode = #tpu.pipeline_mode<synchronous>, transform_indices = @transform_10, window_bounds = array<i64: 1, 128>}, {pipeline_mode = #tpu.pipeline_mode<synchronous>, transform_indices = @transform_11, window_bounds = array<i64: 128, 128>}, {transform_indices = @transform_12, window_bounds = array<i64: 2048, 128>}]} {
    %get3A = arith.constant 0 : index
    %get3A_0 = arith.constant 0 : index
    %get3A_1 = vector.load %arg6[%get3A, %get3A_0] : memref<1x128xf32, #tpu.memory_space<vmem>>, vector<1x128xf32>
    %mul3A = arith.constant 9.99999974E-5 : f32
    %mul3A_2 = vector.broadcast %mul3A : f32 to vector<1x128xf32>
    %mul3A_3 = arith.mulf %get3A_1, %mul3A_2 : vector<1x128xf32>
    %get3A_4 = arith.constant 0 : index
    %get3A_5 = arith.constant 0 : index
    %get3A_6 = vector.load %arg7[%get3A_4, %get3A_5] : memref<1x128xf32, #tpu.memory_space<vmem>>, vector<1x128xf32>
    %mul3A_7 = arith.constant 9.99999974E-5 : f32
    %mul3A_8 = vector.broadcast %mul3A_7 : f32 to vector<1x128xf32>
    %mul3A_9 = arith.mulf %get3A_6, %mul3A_8 : vector<1x128xf32>
    %mul3A_10 = arith.mulf %mul3A_3, %mul3A_3 : vector<1x128xf32>
    %sub3A = arith.subf %mul3A_9, %mul3A_10 : vector<1x128xf32>
    %get3A_11 = arith.constant 0 : index
    %get3A_12 = arith.constant 0 : index
    %get3A_13 = vector.load %arg8[%get3A_11, %get3A_12] : memref<1x128xf32, #tpu.memory_space<vmem>>, vector<1x128xf32>
    %add3A = arith.constant 9.99999974E-6 : f32
    %add3A_14 = vector.broadcast %add3A : f32 to vector<1x128xf32>
    %add3A_15 = arith.addf %sub3A, %add3A_14 : vector<1x128xf32>
    %rsqrt3A = math.rsqrt %add3A_15 : vector<1x128xf32>
    %mul3A_16 = arith.mulf %get3A_13, %rsqrt3A : vector<1x128xf32>
    %get3A_17 = arith.constant 0 : index
    %get3A_18 = arith.constant 0 : index
    %get3A_19 = vector.load %arg9[%get3A_17, %get3A_18] : memref<1x128xf32, #tpu.memory_space<vmem>>, vector<1x128xf32>
    %mul3A_20 = arith.mulf %mul3A_3, %mul3A_16 : vector<1x128xf32>
    %sub3A_21 = arith.subf %get3A_19, %mul3A_20 : vector<1x128xf32>
    %get3A_22 = arith.constant 0 : index
    %get3A_23 = arith.constant 0 : index
    %get3A_24 = vector.load %arg1[%get3A_22, %get3A_23] : memref<2048x128xf32, #tpu.memory_space<vmem>>, vector<2048x128xf32>
    %get3A_25 = arith.constant 0 : index
    %get3A_26 = arith.constant 0 : index
    %get3A_27 = vector.load %arg2[%get3A_25, %get3A_26] : memref<2048x128xf32, #tpu.memory_space<vmem>>, vector<2048x128xf32>
    %add3A_28 = arith.addf %get3A_24, %get3A_27 : vector<2048x128xf32>
    %get3A_29 = arith.constant 0 : index
    %get3A_30 = arith.constant 0 : index
    %get3A_31 = vector.load %arg3[%get3A_29, %get3A_30] : memref<2048x1xf32, #tpu.memory_space<vmem>>, vector<2048x1xf32>
    %get3A_32 = arith.constant 0 : index
    %get3A_33 = arith.constant 0 : index
    %get3A_34 = vector.load %arg4[%get3A_32, %get3A_33] : memref<2048x1xf32, #tpu.memory_space<vmem>>, vector<2048x1xf32>
    %add3A_35 = arith.addf %get3A_31, %get3A_34 : vector<2048x1xf32>
    %max3A = arith.constant 1.000000e+00 : f32
    %max3A_36 = vector.broadcast %max3A : f32 to vector<2048x1xf32>
    %max3A_37 = arith.maximumf %add3A_35, %max3A_36 : vector<2048x1xf32>
    %gt3A = arith.constant 5.000000e-01 : f32
    %gt3A_38 = vector.broadcast %gt3A : f32 to vector<2048x1xf32>
    %gt3A_39 = arith.cmpf ogt, %add3A_35, %gt3A_38 : vector<2048x1xf32>
    %div3A = vector.broadcast %max3A_37 : vector<2048x1xf32> to vector<2048x128xf32>
    %div3A_40 = arith.divf %add3A_28, %div3A : vector<2048x128xf32>
    %mul3A_41 = vector.broadcast %mul3A_16 : vector<1x128xf32> to vector<2048x128xf32>
    %mul3A_42 = arith.mulf %mul3A_41, %div3A_40 : vector<2048x128xf32>
    %add3A_43 = vector.broadcast %sub3A_21 : vector<1x128xf32> to vector<2048x128xf32>
    %add3A_44 = arith.addf %mul3A_42, %add3A_43 : vector<2048x128xf32>
    %jit3A = arith.constant 0.000000e+00 : f32
    %broadcast_in_dim3A = vector.shape_cast %gt3A_39 : vector<2048x1xi1> to vector<2048x1xi1>
    %broadcast_in_dim3A_45 = vector.broadcast %broadcast_in_dim3A : vector<2048x1xi1> to vector<2048x128xi1>
    %broadcast_in_dim3A_46 = vector.broadcast %jit3A : f32 to vector<2048x128xf32>
    %select_n3A = arith.select %broadcast_in_dim3A_45, %add3A_44, %broadcast_in_dim3A_46 : vector<2048x128xi1>, vector<2048x128xf32>
    %get3A_47 = arith.constant 0 : index
    %get3A_48 = arith.constant 0 : index
    %get3A_49 = vector.load %arg5[%get3A_47, %get3A_48] : memref<2048x128xf32, #tpu.memory_space<vmem>>, vector<2048x128xf32>
    %mul3A_50 = vector.broadcast %mul3A_16 : vector<1x128xf32> to vector<2048x128xf32>
    %mul3A_51 = arith.mulf %mul3A_50, %get3A_49 : vector<2048x128xf32>
    %add3A_52 = vector.broadcast %sub3A_21 : vector<1x128xf32> to vector<2048x128xf32>
    %add3A_53 = arith.addf %mul3A_51, %add3A_52 : vector<2048x128xf32>
    %get3A_54 = arith.constant 0 : index
    %get3A_55 = arith.constant 0 : index
    %get3A_56 = vector.load %arg10[%get3A_54, %get3A_55] : memref<128x128xf32, #tpu.memory_space<vmem>>, vector<128x128xf32>
    %dot_general3A = arith.constant dense<0.000000e+00> : vector<2048x128xf32>
    %dot_general3A_57 = tpu.matmul %select_n3A, %get3A_56, %dot_general3A {dimension_numbers = #tpu.dot_dimension_numbers<[1], [1], [0], [0], [0, 0, 1, 0], [], []>, transpose_lhs_hint = false} : vector<2048x128xf32>, vector<128x128xf32>, vector<2048x128xf32> -> vector<2048x128xf32>
    %get3A_58 = arith.constant 0 : index
    %get3A_59 = arith.constant 0 : index
    %get3A_60 = vector.load %arg11[%get3A_58, %get3A_59] : memref<1x128xf32, #tpu.memory_space<vmem>>, vector<1x128xf32>
    %add3A_61 = vector.broadcast %get3A_60 : vector<1x128xf32> to vector<2048x128xf32>
    %add3A_62 = arith.addf %dot_general3A_57, %add3A_61 : vector<2048x128xf32>
    %get3A_63 = arith.constant 0 : index
    %get3A_64 = arith.constant 0 : index
    %get3A_65 = vector.load %arg12[%get3A_63, %get3A_64] : memref<128x128xf32, #tpu.memory_space<vmem>>, vector<128x128xf32>
    %dot_general3A_66 = arith.constant dense<0.000000e+00> : vector<2048x128xf32>
    %dot_general3A_67 = tpu.matmul %add3A_53, %get3A_65, %dot_general3A_66 {dimension_numbers = #tpu.dot_dimension_numbers<[1], [1], [0], [0], [0, 0, 1, 0], [], []>, transpose_lhs_hint = false} : vector<2048x128xf32>, vector<128x128xf32>, vector<2048x128xf32> -> vector<2048x128xf32>
    %add3A_68 = arith.addf %add3A_62, %dot_general3A_67 : vector<2048x128xf32>
    %mul3A_69 = arith.mulf %add3A_68, %add3A_68 : vector<2048x128xf32>
    %reduce_sum3A = arith.constant dense<0.000000e+00> : vector<2048xf32>
    %reduce_sum3A_70 = vector.multi_reduction <add>, %mul3A_69, %reduce_sum3A [1] : vector<2048x128xf32> to vector<2048xf32>
    %broadcast_in_dim3A_71 = vector.shape_cast %reduce_sum3A_70 : vector<2048xf32> to vector<2048x1xf32>
    %sqrt3A = math.sqrt %broadcast_in_dim3A_71 : vector<2048x1xf32>
    %max3A_72 = arith.constant 9.99999996E-13 : f32
    %max3A_73 = vector.broadcast %max3A_72 : f32 to vector<2048x1xf32>
    %max3A_74 = arith.maximumf %sqrt3A, %max3A_73 : vector<2048x1xf32>
    %div3A_75 = vector.broadcast %max3A_74 : vector<2048x1xf32> to vector<2048x128xf32>
    %div3A_76 = arith.divf %add3A_68, %div3A_75 : vector<2048x128xf32>
    %swap3A = arith.constant 0 : index
    %swap3A_77 = arith.constant 0 : index
    %swap3A_78 = vector.load %arg13[%swap3A, %swap3A_77] : memref<2048x128xf32, #tpu.memory_space<vmem>>, vector<2048x128xf32>
    tpu.vector_store %arg13[%swap3A, %swap3A_77], %div3A_76 {strides = array<i32>} : memref<2048x128xf32, #tpu.memory_space<vmem>>, vector<2048x128xf32>,
    return
  }
  func.func @transform_0(%arg0: i32) -> (i32, i32) {
    %c0_i32 = arith.constant 0 : i32
    %c0_i32_0 = arith.constant 0 : i32
    return %arg0, %c0_i32 : i32, i32
  }
  func.func @transform_1(%arg0: i32) -> (i32, i32) {
    %add3A = arith.constant 5 : i32
    %add3A_0 = arith.addi %arg0, %add3A : i32
    %c0_i32 = arith.constant 0 : i32
    %c0_i32_1 = arith.constant 0 : i32
    return %add3A_0, %c0_i32 : i32, i32
  }
  func.func @transform_2(%arg0: i32) -> (i32, i32) {
    %c0_i32 = arith.constant 0 : i32
    %c0_i32_0 = arith.constant 0 : i32
    return %arg0, %c0_i32 : i32, i32
  }
  func.func @transform_3(%arg0: i32) -> (i32, i32) {
    %c0_i32 = arith.constant 0 : i32
    %c0_i32_0 = arith.constant 0 : i32
    return %arg0, %c0_i32 : i32, i32
  }
  func.func @transform_4(%arg0: i32) -> (i32, i32) {
    %c0_i32 = arith.constant 0 : i32
    %c0_i32_0 = arith.constant 0 : i32
    return %arg0, %c0_i32 : i32, i32
  }
  func.func @transform_5(%arg0: i32) -> (i32, i32) {
    %c0_i32 = arith.constant 0 : i32
    %c0_i32_0 = arith.constant 0 : i32
    %c0_i32_1 = arith.constant 0 : i32
    return %c0_i32, %c0_i32_0 : i32, i32
  }
  func.func @transform_6(%arg0: i32) -> (i32, i32) {
    %c0_i32 = arith.constant 0 : i32
    %c0_i32_0 = arith.constant 0 : i32
    %c0_i32_1 = arith.constant 0 : i32
    return %c0_i32, %c0_i32_0 : i32, i32
  }
  func.func @transform_7(%arg0: i32) -> (i32, i32) {
    %c0_i32 = arith.constant 0 : i32
    %c0_i32_0 = arith.constant 0 : i32
    %c0_i32_1 = arith.constant 0 : i32
    return %c0_i32, %c0_i32_0 : i32, i32
  }
  func.func @transform_8(%arg0: i32) -> (i32, i32) {
    %c0_i32 = arith.constant 0 : i32
    %c0_i32_0 = arith.constant 0 : i32
    %c0_i32_1 = arith.constant 0 : i32
    return %c0_i32, %c0_i32_0 : i32, i32
  }
  func.func @transform_9(%arg0: i32) -> (i32, i32) {
    %c0_i32 = arith.constant 0 : i32
    %c0_i32_0 = arith.constant 0 : i32
    %c0_i32_1 = arith.constant 0 : i32
    return %c0_i32, %c0_i32_0 : i32, i32
  }
  func.func @transform_10(%arg0: i32) -> (i32, i32) {
    %c0_i32 = arith.constant 0 : i32
    %c0_i32_0 = arith.constant 0 : i32
    %c0_i32_1 = arith.constant 0 : i32
    return %c0_i32, %c0_i32_0 : i32, i32
  }
  func.func @transform_11(%arg0: i32) -> (i32, i32) {
    %c0_i32 = arith.constant 0 : i32
    %c0_i32_0 = arith.constant 0 : i32
    %c0_i32_1 = arith.constant 0 : i32
    return %c0_i32, %c0_i32_0 : i32, i32
  }
  func.func @transform_12(%arg0: i32) -> (i32, i32) {
    %c0_i32 = arith.constant 0 : i32
    %c0_i32_0 = arith.constant 0 : i32
    return %arg0, %c0_i32 : i32, i32
  }
}

</mosaic_0001>

<sc_bundles>
// kernel: kernel.6.cloned.1.call-start
scs
__scs_entry_jumppad:
0x0: {  	(pc) =	sbr.rel $0x88, $3  }
0x1: {  	(tag) =	ssettag $0x0;
	lr =	simm.s32 $0x1  }
0x2: {  	[smem:$0x3F97] =	sst lr;
	_ =	strace $0xD0000000  }
0x3: {  	_ = 	snop  }
0x4: {  	_ = 	snop  }
0x5: {  	_ = 	snop  }
0x6: {  	_ = 	snop  }
0x7: {  	_ = 	snop  }
__scs_overlays_trampoline_lowered:
0x8: {  	[smem:$0x3FA6] =	sst s0  }
0x9: {  	[smem:$0x3FA7] =	sst s1  }
0xa: {  	[smem:$0x3FA8] =	sst s2  }
0xb: {  	[smem:$0x3FA9] =	sst s3  }
0xc: {  	[smem:$0x3FAA] =	sst s4  }
0xd: {  	[smem:$0x3FAB] =	sst s5  }
0xe: {  	[smem:$0x3FAC] =	sst s6  }
0xf: {  	[smem:$0x3FAD] =	sst s7  }
0x10: {  	[smem:$0x3FAE] =	sst s8  }
0x11: {  	[smem:$0x3FAF] =	sst s9;
	s0 =	simm.s32 @!p0 $0x0  }
0x12: {  	s1 =	sld [smem:$0x3F95];
	s0 =	simm.s32 @p0 $0x1  }
0x13: {  	[smem:$0x3FB0] =	sst s0;
	s0 =	simm.s32 @!p1 $0x0  }
0x14: {  	s2 =	sld [smem:$0x3F94];
	s0 =	simm.s32 @p1 $0x1  }
0x15: {  	[smem:$0x3FB1] =	sst s0;
	s0 =	simm.s32 @!p2 $0x0  }
0x16: {  	s3 =	sld [smem:$0x3FDB];
	s0 =	simm.s32 @p2 $0x1  }
0x17: {  	s4 =	simm.s32 $0x1BF5;
	[smem:$0x3FB3] =	sst s0  }
0x18: {  	s0 =	sld [smem:$0x3F96];
	_ =	swait.ge [sflag:s4], $0x0  }
0x19: {  	s7 =	sld [smem:$0x3F97]  }
0x1a: {  	s8 =	sadd.s32 $0xFFFFE003, lr  }
0x1b: {  	s9 =	sadd.s32 $0xFFFFFEF7, lr;
	s5 =	simm.s32 $0xFFFFFFFF;
	p2 =	slt.u32 s8, $0xFFFFF086  }
0x1c: {  	p1 =	slt.u32 s9, $0xF7A;
	s5 =	simm.s32 @!p2 $0x0  }
0x1d: {  	s5 =	simm.s32 @p1 $0x1;
	p0 =	seq.s32 s7, s2  }
0x1e: {  	s7 =	smul.u32 @!p0 $0xF7A, s2;
	p2 =	seq.s32 @!p0 s5, $0x0  }
0x1f: {  	s9 =	smul.u32 $0xF7A, s1;
	s8 =	simm.s32 @!p0 $0x1BF5;
	p2 =	por !p2, p0  }
0x20: {  	[sflag:s8] =	ssyncset.s32 @!p0 $0xFFFFF086;
	s6 =	sadd.s32 @!p0 s3, s7;
	s7 =	simm.s32 @!p0 $0x108  }
0x21: {  	s3 =	sadd.s32 s3, s9;
	s6 =	sadd.s32 @!p0 $0x88, s6;
	s7 =	simm.s32 @p2 $0x1082  }
0x22: {  	[simem:s7], [sflag:s8] =	dma.local @!p0 [hbm:s6], $0xF7A  }
0x23: {  	s9 =	sor.u32 $0xD0000000, s2;
	s6 =	simm.s32 $0x108;
	_ =	swait.ge @!p0 [sflag:s8], $0x0  }
0x24: {  	s3 =	sadd.s32 $0x88, s3;
	s6 =	simm.s32 @!p1 $0x1082;
	[sflag:s4] =	ssyncset.s32 $0xFFFFF086  }
0x25: {  	[simem:s6], [sflag:s4] =	dma.local [hbm:s3], $0xF7A  }
0x26: {  	[smem:$0x3F97] =	sst s1;
	(tag) =	ssettag s2;
	_ =	strace s9  }
0x27: {  	s1 =	sld [smem:$0x3FA7]  }
0x28: {  	s2 =	sld [smem:$0x3FA8]  }
0x29: {  	s4 =	sld [smem:$0x3FAA]  }
0x2a: {  	p0 =	seq.s32 s5, $0x0;
	s5 =	sld [smem:$0x3FAB]  }
0x2b: {  	s6 =	sld [smem:$0x3FAC]  }
0x2c: {  	s7 =	sld [smem:$0x3FAD]  }
0x2d: {  	s3 =	simm.s32 $0x108;
	s8 =	sld [smem:$0x3FAE]  }
0x2e: {  	s3 =	simm.s32 @!p0 $0x1082;
	s9 =	sld [smem:$0x3FAF]  }
0x2f: {  	lr =	sadd.s32 s0, s3;
	s0 =	sld [smem:$0x3FA6]  }
0x30: {  	s3 =	sld [smem:$0x3FA9]  }
0x31: {  	[smem:$0x3FB2] =	sst s10  }
0x32: {  	s10 =	sld [smem:$0x3FB0];
	_ =	sdelay $0x3  }
0x33: {  	p0 =	seq.s32 s10, $0x1;
	s10 =	sld [smem:$0x3FB2];
	_ =	sdelay $0x3  }
0x34: {  	[smem:$0x3FB2] =	sst s10  }
0x35: {  	s10 =	sld [smem:$0x3FB1];
	_ =	sdelay $0x3  }
0x36: {  	p1 =	seq.s32 s10, $0x1;
	s10 =	sld [smem:$0x3FB2];
	_ =	sdelay $0x3  }
0x37: {  	[smem:$0x3FB2] =	sst s10  }
0x38: {  	s10 =	sld [smem:$0x3FB3]  }
0x39: {  	_ = 	snop;
	(pc) =	sbr.ind lr, $3  }
0x3a: {  	_ = 	snop  }
0x3b: {  	_ = 	snop  }
0x3c: {  	p2 =	seq.s32 s10, $0x1;
	s10 =	sld [smem:$0x3FB2]  }
0x3d: {  	_ =	shalt  }
0x3e: {  	_ =	shalt  }
0x3f: {  	_ =	shalt  }
0x40: {  	_ =	shalt  }
0x41: {  	_ =	shalt  }
0x42: {  	_ =	shalt  }
0x43: {  	_ =	shalt  }
0x44: {  	_ =	shalt  }
0x45: {  	_ =	shalt  }
0x46: {  	_ =	shalt  }
0x47: {  	_ =	shalt  }
0x48: {  	_ =	shalt  }
0x49: {  	_ =	shalt  }
0x4a: {  	_ =	shalt  }
0x4b: {  	_ =	shalt  }
0x4c: {  	_ =	shalt  }
0x4d: {  	_ =	shalt  }
0x4e: {  	_ =	shalt  }
0x4f: {  	_ =	shalt  }
0x50: {  	_ =	shalt  }
0x51: {  	_ =	shalt  }
0x52: {  	_ =	shalt  }
0x53: {  	_ =	shalt  }
0x54: {  	_ =	shalt  }
0x55: {  	_ =	shalt  }
0x56: {  	_ =	shalt  }
0x57: {  	_ =	shalt  }
0x58: {  	_ =	shalt  }
0x59: {  	_ =	shalt  }
0x5a: {  	_ =	shalt  }
0x5b: {  	_ =	shalt  }
0x5c: {  	_ =	shalt  }
0x5d: {  	_ =	shalt  }
0x5e: {  	_ =	shalt  }
0x5f: {  	_ =	shalt  }
0x60: {  	_ =	shalt  }
0x61: {  	_ =	shalt  }
0x62: {  	_ =	shalt  }
0x63: {  	_ =	shalt  }
0x64: {  	_ =	shalt  }
0x65: {  	_ =	shalt  }
0x66: {  	_ =	shalt  }
0x67: {  	_ =	shalt  }
0x68: {  	_ =	shalt  }
0x69: {  	_ =	shalt  }
0x6a: {  	_ =	shalt  }
0x6b: {  	_ =	shalt  }
0x6c: {  	_ =	shalt  }
0x6d: {  	_ =	shalt  }
0x6e: {  	_ =	shalt  }
0x6f: {  	_ =	shalt  }
0x70: {  	_ =	shalt  }
0x71: {  	_ =	shalt  }
0x72: {  	_ =	shalt  }
0x73: {  	_ =	shalt  }
0x74: {  	_ =	shalt  }
0x75: {  	_ =	shalt  }
0x76: {  	_ =	shalt  }
0x77: {  	_ =	shalt  }
0x78: {  	_ =	shalt  }
0x79: {  	_ =	shalt  }
0x7a: {  	_ =	shalt  }
0x7b: {  	_ =	shalt  }
0x7c: {  	_ =	shalt  }
0x7d: {  	_ =	shalt  }
0x7e: {  	_ =	shalt  }
0x7f: {  	_ =	shalt  }
0x80: {  	_ =	shalt  }
0x81: {  	_ =	shalt  }
0x82: {  	_ =	shalt  }
0x83: {  	_ =	shalt  }
0x84: {  	_ =	shalt  }
0x85: {  	_ =	shalt  }
0x86: {  	_ =	shalt  }
0x87: {  	_ =	shalt  }
.Lfunc_end0:
.L_simem_size_0:
called_computation_lowered:
.L_overlay_start_0:
0x88: {  	s2 =	sld [smem:$0x3FD9]  }
0x89: {  	s3 =	sld [smem:$0x3FFE];
	_ =	sdelay $0x1  }
0x8a: {  	s1 =	srdreg.scid  }
0x8b: {  	s0 =	sand.u32 $0x1, s1  }
0x8c: {  	s17 =	sshll.u32 s0, $0xA;
	s2 =	sadd.s32 s3, s2  }
0x8d: {  	s2 =	sadd.s32 s2, s17  }
0x8e: {  	[smem:$0x3FBE] =	sst s2  }
0x8f: {  	_ = 	snop  }
0x90: {  	s2 =	sld [smem:$0x3FC9]  }
0x91: {  	s18 =	sld [smem:$0x3FD0];
	(tm) =	ssettm $0x1  }
0x92: {  	s4 =	sld [smem:$0x3FFB];
	_ =	sdelay $0x3  }
0x93: {  	_ =	strace s4  }
0x94: {  	s4 =	sld [smem:$0x3FFC];
	_ =	sdelay $0x3  }
0x95: {  	_ =	strace s4  }
0x96: {  	s4 =	sld [smem:$0x3FFD];
	_ =	sdelay $0x3  }
0x97: {  	_ =	strace s4  }
0x98: {  	_ =	strace $0x8FFFFFFF  }
0x99: {  	s19 =	sld [smem:$0x3FDB];
	_ =	sdelay $0x1  }
0x9a: {  	s5 =	simm.s32 $_scs_section_size  }
0x9b: {  	s6 =	simm.s32 $_size__tile_overlayer_lowered;
	s7 =	simm.s32 $_tile_overlayer_lowered  }
0x9c: {  	s22 =	simm.s32 $0x1BFF;
	s21 =	sshll.u32 s7, $0x1;
	s4 =	sadd.s32 s5, s19  }
0x9d: {  	s8 =	simm.s32 $0x0;
	s20 =	sshll.u32 s6, $0x1;
	s6 =	sadd.s32 s21, s4  }
0x9e: {  	[timem:s8], [sflag:s22] =	dma.local [hbm:s6], s20  }
0x9f: {  	_ =	swait.ge [sflag:s22], s20  }
0xa0: {  	s5 =	ssub.s32 $0x0, s20;
	[sflag:s22] =	ssyncset.done $0x0  }
0xa1: {  	[sflag:s22] =	ssyncadd.s32 s5;
	_ =	sdelay $0x1  }
0xa2: {  	s23 =	simm.s32 $0x1B8B  }
0xa3: {  	_ =	swait.ge [sflag:s23], $0x1  }
0xa4: {  	[sflag:s23] =	ssyncset.done $0x0  }
0xa5: {  	s25 =	simm.s32 $0x1B8E;
	s24 =	sld [smem:$0x3FFE];
	[sflag:s23] =	ssyncadd.s32 $0xFFFFFFFF  }
0xa6: {  	s26 =	simm.s32 $execute0_lowered;
	[smem:$0x3FD2] =	sst s25  }
0xa7: {  	s6 =	sshll.u32 s26, $0x1;
	_ =	strace $0x80000046;
	[dreg:$0x1] =	wrdreg $0xFFFFFFFF  }
0xa8: {  	s28 =	simm.s32 $_size_execute0_lowered;
	s4 =	sadd.s32 s4, s6;
	[dreg:$0x0] =	wrdreg $0x0  }
0xa9: {  	s6 =	sshll.u32 s28, $0x1;
	[dreg:$0x2] =	wrdreg s4  }
0xaa: {  	[dreg:$0x3] =	wrdreg s6  }
0xab: {  	[dreg:$0x4] =	wrdreg $0xC0  }
0xac: {  	_ =	task [dreg:s8], $0x5FFFF  }
0xad: {  	[dreg:$0x1] =	wrdreg $0xFFFFFFFF  }
0xae: {  	[dreg:$0x0] =	wrdreg $0x60  }
0xaf: {  	[dreg:$0x2] =	wrdreg s2  }
0xb0: {  	[dreg:$0x3] =	wrdreg s24  }
0xb1: {  	[dreg:$0x4] =	wrdreg s18  }
0xb2: {  	[dreg:$0x5] =	wrdreg $0x0  }
0xb3: {  	[dreg:$0x6] =	wrdreg $0x1E7000  }
0xb4: {  	[dreg:$0x7] =	wrdreg $0x9  }
0xb5: {  	_ =	task.clear_ibuf [dreg:s8], $0x8FFFF;
	_ =	strace $0x90000046  }
0xb6: {  	s29 =	simm.s32 $0x9;
	_ =	strace $0x80000048  }
0xb7: {  	_ =	swait.ge [sflag:s29], $0x1  }
0xb8: {  	[sflag:s29] =	ssyncadd.s32 $0xFFFFFFFF  }
0xb9: {  	_ =	strace $0x90000048  }
0xba: {  	_ =	sfence  }
0xbb: {  	s30 =	sld [smem:$0x0];
	_ =	sdelay $0x2  }
0xbc: {  	s31 =	sshll.u32 s1, $0xD;
	s1 =	sshrl.u32 s1, $0x2  }
0xbd: {  	s3 =	sand.u32 $0x4000, s31;
	s1 =	sadd.s32 s1, s30  }
0xbe: {  	s0 =	sor.u32 s3, s0;
	s1 =	sshll.u32 s1, $0x11  }
0xbf: {  	s0 =	sor.u32 s1, s0  }
0xc0: {  	s0 =	sadd.s32 $0x8F2B, s0  }
0xc1: {  	[sflag:s0] =	ssyncadd.remote.s32 $0x1  }
0xc2: {  	_ =	sfence.sel $0xFFFF  }
0xc3: {  	[dreg:$0x0] =	wrdreg $0xFFFFFFFF;
	(pc) =	sbr.abs _section_cstart, $3  }
0xc4: {  	[dreg:$0x1] =	wrdreg $0xFFFFFFFF  }
0xc5: {  	_ =	task.clear_ibuf [dreg:s8], $0x2FFFF;
	_ =	strace $0x9FFFFFFF  }
0xc6: {  	(tm) =	ssettm $0x7FFFFFFF  }
0xc7: {  	_ =	shalt  }
tec
execute0_lowered:
.L_overlay_start_1:
0x0: {  	(tag) =	ssettag $0x1  }
0x1: {  	s0 =	rddreg [dreg:$0x0]  }
0x2: {  	s6 =	rddreg [dreg:$0x1]  }
0x3: {  	s7 =	rddreg [dreg:$0x2]  }
0x4: {  	s3 =	rddreg [dreg:$0x3];
	s1 =	srdreg.scid  }
0x5: {  	s4 =	rddreg [dreg:$0x4];
	s2 =	stileid.u32;
	s5 =	simm.s32 $0x0  }
0x6: {  	s16 =	simm.s32 $0x50;
	s17 =	simm.s32 $0x18F00;
	s18 =	simm.s32 $0x14050  }
0x7: {  	s19 =	simm.s32 $0x1B700;
	s20 =	simm.s32 $0x1DF00;
	s21 =	simm.s32 $0x1FD80  }
0x8: {  	s22 =	simm.s32 $0x1388;
	s23 =	simm.s32 $0x1E980;
	s24 =	simm.s32 $0x17B08  }
0x9: {  	s25 =	simm.s32 $0x1;
	s26 =	simm.s32 $0x2;
	s28 =	simm.s32 $0x4  }
0xa: {  	s29 =	simm.s32 $0x0;
	s8 =	sand.u32 $0x1, s1;
	s10 =	smul.u32 $0x280, s2  }
0xb: {  	[smem:$0x7FF] =	sst s5;
	s15 =	smul.u32 $0x50000, s2;
	s9 =	sshll.u32 s8, $0x4  }
0xc: {  	s11 =	smul.u32 $0x2800, s8;
	_ =	strace $0x80000047;
	s8 =	ssub.s32 $0x2, s8  }
0xd: {  	s9 =	sor.u32 s2, s9;
	s14 =	sshrl.u32 s8, $0x1;
	s31 =	sshrl.u32 s15, $0x2  }
0xe: {  	s15 =	simm.s32 $0x16780;
	s9 =	smul.u32 $0x4E2, s9;
	s11 =	sadd.s32 s10, s11  }
0xf: {  	s14 =	ssub.s32 s8, s14;
	s8 =	sadd.s32 s31, s3;
	s13 =	sshll.u32 s11, $0x4  }
0x10: {  	s11 =	sshrl.u32 s11, $0x3;
	s12 =	sadd.s32 s9, s6;
	s13 =	sadd.s32 s13, s6  }
0x11: {  	s11 =	sadd.s32 s11, s6;
	s7 =	sadd.s32 s7, s9;
	s9 =	sadd.s32 s10, s4  }
0x12: {  	s6 =	sadd.s32 $0x2A00, s12;
	s10 =	sadd.s32 $0xD200, s13;
	s11 =	sadd.s32 $0xC800, s11  }
0x13: {  	v0 =	vimm.f32 $0.0e+00;
	v1 =	vimm.f32 $1.000000000e+00;
	s12 =	smax.u32 s14, $0x1;
	s13 =	simm.s32 $0x14000;
	s14 =	simm.s32 $0x3  }
.LBB2_1:
0x14: {  	[tilespmem:s13], [sflag:$0x3] =	stream.linear.gather [hbm4b:s6+s5], $0x2710, $0x38;
	v63 =	vld [tilespmem:$0x0]  }
0x15: {  	_ =	swait.ge [sflag:s14], $0x2710  }
0x16: {  	[sflag:s14] =	ssyncset.done $0x0  }
0x17: {  	[sflag:s14] =	ssyncadd.s32 $0xFFFFD8F0  }
0x18: {  	[tilespmem:s15], [sflag:$0x3] =	stream.linear.gather [hbm4b:s7+s5], $0x2710, $0x38;
	v63 =	vld [tilespmem:$0x0]  }
0x19: {  	_ =	swait.ge [sflag:s14], $0x2710  }
0x1a: {  	[sflag:s14] =	ssyncset.done $0x0  }
0x1b: {  	[sflag:s14] =	ssyncadd.s32 $0xFFFFD8F0  }
0x1c: {  	[tilespmem:s17], [sflag:$0x1] =	stream.indirect.gather [hbm4b:s0+s16], $0x80, s13, s16, $0xb8;
	v63 =	vld [tilespmem:$0x0]  }
0x1d: {  	s30 =	simm.s32 $0x0;
	s31 =	simm.s32 $0x0  }
0x1e: {  	[tilespmem:s19], [sflag:$0x2] =	stream.indirect.gather [hbm4b:s0+s16], $0x80, s18, s16, $0xb8;
	v63 =	vld [tilespmem:$0x0]  }
.LBB2_2:
0x1f: {  	p0 =	sne.s32 s31, $0x1FC0  }
.Ltmp0:
0x20: {  	_ = 	snop;
	(pc) =	sbr.rel @p0 .LBB2_2-.Ltmp0, $4  }
0x21: {  	s1 =	sand.u32 $0x1E00, s31  }
0x22: {  	s2 =	sand.u32 $0x70, s30;
	s1 =	sshrl.u32 s1, $0x2  }
0x23: {  	s1 =	sor.u32 s2, s1  }
0x24: {  	s30 =	sadd.s32 $0x10, s30;
	s31 =	sadd.s32 $0x40, s31;
	[tilespmem:s1+$0x1DF00] =	vst v0  }
0x25: {  	s30 =	simm.s32 $0x40;
	s31 =	simm.s32 $0x0  }
.LBB2_4:
0x26: {  	p0 =	sne.s32 s30, $0x4E00;
	[tilespmem:s31+$0x1E980] =	vst v1;
	s1 =	smov.u32 s30;
	s30 =	sadd.s32 $0x40, s30  }
.Ltmp1:
0x27: {  	(pc) =	sbr.rel @p0 .LBB2_4-.Ltmp1, $2  }
0x28: {  	_ =	sdelay $0x2  }
0x29: {  	s31 =	sshra.s32 s1, $0x2  }
0x2a: {  	[tilespmem:s31+$0x1E980] =	vst v1  }
0x2b: {  	[tilespmem:$0x1FD80] =	vst v0  }
0x2c: {  	[tilespmem:$0x1FD90] =	vst v0  }
0x2d: {  	[tilespmem:$0x1FDA0] =	vst v0  }
0x2e: {  	[tilespmem:$0x1FDB0] =	vst v0  }
0x2f: {  	[tilespmem:$0x1FDC0] =	vst v0  }
0x30: {  	[tilespmem:$0x1FDD0] =	vst v0  }
0x31: {  	[tilespmem:$0x1FDE0] =	vst v0  }
0x32: {  	[tilespmem:$0x1FDF0] =	vst v0  }
0x33: {  	[tilespmem:$0x1FE00] =	vst v0  }
0x34: {  	[tilespmem:$0x1FE10] =	vst v0  }
0x35: {  	[tilespmem:$0x1FE20] =	vst v0  }
0x36: {  	[tilespmem:$0x1FE30] =	vst v0  }
0x37: {  	[tilespmem:$0x1FE40] =	vst v0  }
0x38: {  	[tilespmem:$0x1FE50] =	vst v0  }
0x39: {  	[tilespmem:$0x1FE60] =	vst v0  }
0x3a: {  	[tilespmem:$0x1FE70] =	vst v0  }
0x3b: {  	[tilespmem:$0x1FE80] =	vst v0  }
0x3c: {  	[tilespmem:$0x1FE90] =	vst v0  }
0x3d: {  	[tilespmem:$0x1FEA0] =	vst v0  }
0x3e: {  	[tilespmem:$0x1FEB0] =	vst v0  }
0x3f: {  	[tilespmem:$0x1FEC0] =	vst v0  }
0x40: {  	[tilespmem:$0x1FED0] =	vst v0  }
0x41: {  	[tilespmem:$0x1FEE0] =	vst v0  }
0x42: {  	[tilespmem:$0x1FEF0] =	vst v0  }
0x43: {  	[tilespmem:$0x1FF00] =	vst v0  }
0x44: {  	[tilespmem:$0x1FF10] =	vst v0  }
0x45: {  	[tilespmem:$0x1FF20] =	vst v0  }
0x46: {  	[tilespmem:$0x1FF30] =	vst v0  }
0x47: {  	[tilespmem:$0x1FF40] =	vst v0  }
0x48: {  	[tilespmem:$0x1FF50] =	vst v0  }
0x49: {  	[tilespmem:$0x1FF60] =	vst v0  }
0x4a: {  	[tilespmem:$0x1FF70] =	vst v0  }
0x4b: {  	[tilespmem:$0x1FF80] =	vst v0  }
0x4c: {  	[tilespmem:$0x1FF90] =	vst v0  }
0x4d: {  	[tilespmem:$0x1FFA0] =	vst v0  }
0x4e: {  	[tilespmem:$0x1FFB0] =	vst v0  }
0x4f: {  	[tilespmem:$0x1FFC0] =	vst v0  }
0x50: {  	[tilespmem:$0x1FFD0] =	vst v0  }
0x51: {  	[tilespmem:$0x1FFE0] =	vst v0  }
0x52: {  	s1 =	sadd.s32 $0x0, s8;
	[tilespmem:$0x1FFF0] =	vst v0  }
0x53: {  	[spmem:s1] =	stream.linear.scatter [tilespmem:s20], [sflag:$0x3], $0x800, $0x38;
	v63 =	vld [tilespmem:$0x0]  }
0x54: {  	s30 =	simm.s32 $0x2000;
	_ =	swait.ge [sflag:s14], $0x800  }
.LBB2_6:
0x55: {  	s1 =	sshra.s32 s30, $0x2;
	[sflag:s14] =	ssyncset.done $0x0;
	p0 =	sne.s32 s30, $0x4E000  }
.Ltmp2:
0x56: {  	s1 =	sadd.s32 s1, s8;
	[sflag:s14] =	ssyncadd.s32 $0xFFFFF800;
	(pc) =	sbr.rel @p0 .LBB2_6-.Ltmp2, $3  }
0x57: {  	[spmem:s1] =	stream.linear.scatter [tilespmem:s20], [sflag:$0x3], $0x800, $0x38;
	v63 =	vld [tilespmem:$0x0]  }
0x58: {  	s30 =	sadd.s32 $0x2000, s30;
	_ =	sdelay $0x1  }
0x59: {  	_ =	swait.ge [sflag:s14], $0x800  }
0x5a: {  	[sflag:s14] =	ssyncset.done $0x0  }
0x5b: {  	[sflag:s14] =	ssyncadd.s32 $0xFFFFF800  }
0x5c: {  	[spmem:s9] =	stream.linear.scatter [tilespmem:s21], [sflag:$0x3], $0x280, $0x38;
	v63 =	vld [tilespmem:$0x0]  }
0x5d: {  	_ =	swait.ge [sflag:s14], $0x280  }
0x5e: {  	[sflag:s14] =	ssyncset.done $0x0  }
0x5f: {  	[sflag:s14] =	ssyncadd.s32 $0xFFFFFD80  }
0x60: {  	[bflag:$0x0] =	sbarrier.arrive $0xFFFF  }
0x61: {  	[spmem:s4] =	stream.indirect.scatter.add.f32 [tilespmem:s23], [sflag:$0x3], $0x1, s15, s22, $0xb8;
	v63 =	vld [tilespmem:$0x0]  }
0x62: {  	_ =	swait.ge [sflag:s14], $0x1388  }
0x63: {  	[sflag:s14] =	ssyncset.done $0x0  }
0x64: {  	[sflag:s14] =	ssyncadd.s32 $0xFFFFEC78  }
0x65: {  	[spmem:s4] =	stream.indirect.scatter.add.f32 [tilespmem:s23], [sflag:$0x3], $0x1, s24, s22, $0xb8;
	v63 =	vld [tilespmem:$0x0]  }
0x66: {  	_ =	swait.ge [sflag:s14], $0x1388  }
0x67: {  	[sflag:s14] =	ssyncset.done $0x0  }
0x68: {  	[sflag:s14] =	ssyncadd.s32 $0xFFFFEC78  }
0x69: {  	_ =	swait.ge [sflag:s25], $0x2800  }
0x6a: {  	[sflag:s25] =	ssyncset.done $0x0  }
0x6b: {  	[sflag:s25] =	ssyncadd.s32 $0xFFFFD800  }
0x6c: {  	[spmem:s3] =	stream.indirect.scatter.add.f32 [tilespmem:s17], [sflag:$0x3], $0x80, s15, s16, $0xb8;
	v63 =	vld [tilespmem:$0x0]  }
0x6d: {  	_ =	swait.ge [sflag:s14], $0x2800  }
0x6e: {  	[sflag:s14] =	ssyncset.done $0x0  }
0x6f: {  	s1 =	simm.s32 $0x140A0;
	[sflag:s14] =	ssyncadd.s32 $0xFFFFD800  }
0x70: {  	[tilespmem:s17], [sflag:$0x1] =	stream.indirect.gather [hbm4b:s0+s16], $0x80, s1, s16, $0xb8;
	v63 =	vld [tilespmem:$0x0]  }
0x71: {  	_ =	swait.ge [sflag:s26], $0x2800  }
0x72: {  	[sflag:s26] =	ssyncset.done $0x0  }
0x73: {  	s2 =	simm.s32 $0x167D0;
	[sflag:s26] =	ssyncadd.s32 $0xFFFFD800  }
0x74: {  	[spmem:s3] =	stream.indirect.scatter.add.f32 [tilespmem:s19], [sflag:$0x4], $0x80, s2, s16, $0xb8;
	v63 =	vld [tilespmem:$0x0]  }
0x75: {  	_ =	swait.ge [sflag:s28], $0x2800  }
0x76: {  	[sflag:s28] =	ssyncset.done $0x0  }
0x77: {  	s2 =	simm.s32 $0x140F0;
	[sflag:s28] =	ssyncadd.s32 $0xFFFFD800  }
0x78: {  	[tilespmem:s19], [sflag:$0x2] =	stream.indirect.gather [hbm4b:s0+s16], $0x80, s2, s16, $0xb8;
	v63 =	vld [tilespmem:$0x0]  }
0x79: {  	_ =	swait.ge [sflag:s25], $0x2800  }
0x7a: {  	[sflag:s25] =	ssyncset.done $0x0  }
0x7b: {  	s2 =	simm.s32 $0x16820;
	[sflag:s25] =	ssyncadd.s32 $0xFFFFD800  }
0x7c: {  	[spmem:s3] =	stream.indirect.scatter.add.f32 [tilespmem:s17], [sflag:$0x3], $0x80, s2, s16, $0xb8;
	v63 =	vld [tilespmem:$0x0]  }
0x7d: {  	_ =	swait.ge [sflag:s14], $0x2800  }
0x7e: {  	s30 =	simm.s32 $0xFFFF6C80;
	s31 =	simm.s32 $0xFFFFDA80;
	[sflag:s14] =	ssyncset.done $0x0  }
.LBB2_8:
0x7f: {  	s1 =	sadd.s32 $0x166C0, s31  }
0x80: {  	[sflag:s14] =	ssyncadd.s32 $0xFFFFD800;
	s2 =	smov.u32 s30;
	s30 =	sadd.s32 $0x280, s30  }
0x81: {  	[tilespmem:s17], [sflag:$0x1] =	stream.indirect.gather [hbm4b:s0+s16], $0x80, s1, s16, $0xb8;
	v63 =	vld [tilespmem:$0x0]  }
0x82: {  	p0 =	sne.s32 s30, $0x0;
	_ =	swait.ge [sflag:s26], $0x2800  }
0x83: {  	[sflag:s26] =	ssyncset.done $0x0  }
0x84: {  	s1 =	sadd.s32 $0x18DF0, s31;
	[sflag:s26] =	ssyncadd.s32 $0xFFFFD800  }
0x85: {  	[spmem:s3] =	stream.indirect.scatter.add.f32 [tilespmem:s19], [sflag:$0x4], $0x80, s1, s16, $0xb8;
	v63 =	vld [tilespmem:$0x0]  }
0x86: {  	_ =	swait.ge [sflag:s28], $0x2800  }
0x87: {  	[sflag:s28] =	ssyncset.done $0x0  }
0x88: {  	s1 =	sadd.s32 $0x16710, s31;
	[sflag:s28] =	ssyncadd.s32 $0xFFFFD800  }
0x89: {  	[tilespmem:s19], [sflag:$0x2] =	stream.indirect.gather [hbm4b:s0+s16], $0x80, s1, s16, $0xb8;
	v63 =	vld [tilespmem:$0x0]  }
0x8a: {  	_ =	swait.ge [sflag:s25], $0x2800  }
.Ltmp3:
0x8b: {  	[sflag:s25] =	ssyncset.done $0x0;
	(pc) =	sbr.rel @p0 .LBB2_8-.Ltmp3, $4  }
0x8c: {  	s1 =	sadd.s32 $0x18E40, s31;
	[sflag:s25] =	ssyncadd.s32 $0xFFFFD800  }
0x8d: {  	[spmem:s3] =	stream.indirect.scatter.add.f32 [tilespmem:s17], [sflag:$0x3], $0x80, s1, s16, $0xb8;
	v63 =	vld [tilespmem:$0x0]  }
0x8e: {  	_ =	swait.ge [sflag:s14], $0x2800  }
0x8f: {  	s31 =	sshra.s32 s2, $0x2;
	[sflag:s14] =	ssyncset.done $0x0  }
0x90: {  	s1 =	sadd.s32 $0x166C0, s31;
	[sflag:s14] =	ssyncadd.s32 $0xFFFFD800  }
0x91: {  	[tilespmem:s17], [sflag:$0x1] =	stream.indirect.gather [hbm4b:s0+s16], $0x80, s1, s16, $0xb8;
	v63 =	vld [tilespmem:$0x0]  }
0x92: {  	_ =	swait.ge [sflag:s26], $0x2800  }
0x93: {  	[sflag:s26] =	ssyncset.done $0x0  }
0x94: {  	s2 =	sadd.s32 $0x18DF0, s31;
	[sflag:s26] =	ssyncadd.s32 $0xFFFFD800  }
0x95: {  	[spmem:s3] =	stream.indirect.scatter.add.f32 [tilespmem:s19], [sflag:$0x4], $0x80, s2, s16, $0xb8;
	v63 =	vld [tilespmem:$0x0]  }
0x96: {  	_ =	swait.ge [sflag:s28], $0x2800  }
0x97: {  	[sflag:s28] =	ssyncset.done $0x0  }
0x98: {  	s2 =	sadd.s32 $0x16710, s31;
	[sflag:s28] =	ssyncadd.s32 $0xFFFFD800  }
0x99: {  	[tilespmem:s19], [sflag:$0x2] =	stream.indirect.gather [hbm4b:s0+s16], $0x80, s2, s16, $0xb8;
	v63 =	vld [tilespmem:$0x0]  }
0x9a: {  	_ =	swait.ge [sflag:s25], $0x2800  }
0x9b: {  	[sflag:s25] =	ssyncset.done $0x0  }
0x9c: {  	s2 =	sadd.s32 $0x18E40, s31;
	[sflag:s25] =	ssyncadd.s32 $0xFFFFD800  }
0x9d: {  	[spmem:s3] =	stream.indirect.scatter.add.f32 [tilespmem:s17], [sflag:$0x3], $0x80, s2, s16, $0xb8;
	v63 =	vld [tilespmem:$0x0]  }
0x9e: {  	_ =	swait.ge [sflag:s14], $0x2800  }
0x9f: {  	s30 =	sshra.s32 s30, $0x2;
	[sflag:s14] =	ssyncset.done $0x0  }
0xa0: {  	s2 =	sadd.s32 $0x166C0, s30;
	[sflag:s14] =	ssyncadd.s32 $0xFFFFD800  }
0xa1: {  	[tilespmem:s17], [sflag:$0x1] =	stream.indirect.gather [hbm4b:s0+s16], $0x80, s2, s16, $0xb8;
	v63 =	vld [tilespmem:$0x0]  }
0xa2: {  	_ =	swait.ge [sflag:s26], $0x2800  }
0xa3: {  	[sflag:s26] =	ssyncset.done $0x0  }
0xa4: {  	s31 =	sadd.s32 $0x18DF0, s30;
	[sflag:s26] =	ssyncadd.s32 $0xFFFFD800  }
0xa5: {  	[spmem:s3] =	stream.indirect.scatter.add.f32 [tilespmem:s19], [sflag:$0x4], $0x80, s31, s16, $0xb8;
	v63 =	vld [tilespmem:$0x0]  }
0xa6: {  	_ =	swait.ge [sflag:s28], $0x2800  }
0xa7: {  	[sflag:s28] =	ssyncset.done $0x0  }
0xa8: {  	[sflag:s28] =	ssyncadd.s32 $0xFFFFD800  }
0xa9: {  	_ =	swait.ge [sflag:s25], $0x2800  }
0xaa: {  	[sflag:s25] =	ssyncset.done $0x0  }
0xab: {  	s1 =	sadd.s32 $0x18E40, s30;
	[sflag:s25] =	ssyncadd.s32 $0xFFFFD800  }
0xac: {  	[spmem:s3] =	stream.indirect.scatter.add.f32 [tilespmem:s17], [sflag:$0x3], $0x80, s1, s16, $0xb8;
	v63 =	vld [tilespmem:$0x0]  }
0xad: {  	_ =	swait.ge [sflag:s14], $0x2800  }
0xae: {  	s2 =	stileid.u32;
	[sflag:s14] =	ssyncset.done $0x0  }
0xaf: {  	s1 =	sshll.u32 s2, $0x6;
	[sflag:s14] =	ssyncadd.s32 $0xFFFFD800  }
0xb0: {  	s30 =	sshrl.u32 s8, $0x3;
	s1 =	sor.u32 $0x1C03, s1;
	[bflag:$0x0] =	sbarrier.arrive $0xFFFF  }
0xb1: {  	[hbm:s10], [sflag:s1] =	dma.local [spmem:s30], $0x2800  }
0xb2: {  	s29 =	sadd.s32 $0x1, s29;
	_ =	swait.ge [sflag:s14], $0x2800  }
0xb3: {  	p0 =	sne.s32 s29, s12;
	[sflag:s14] =	ssyncset.done $0x0  }
.Ltmp4:
0xb4: {  	s31 =	sshrl.u32 s9, $0x3;
	[sflag:s14] =	ssyncadd.s32 $0xFFFFD800;
	(pc) =	sbr.rel @p0 .LBB2_1-.Ltmp4, $4  }
0xb5: {  	[hbm:s11], [sflag:s1] =	dma.local [spmem:s31], $0x50  }
0xb6: {  	_ =	swait.ge [sflag:s14], $0x50  }
0xb7: {  	[sflag:s14] =	ssyncset.done $0x0  }
0xb8: {  	[sflag:s14] =	ssyncadd.s32 $0xFFFFFFB0  }
0xb9: {  	_ =	sfence.sel $0x180000  }
0xba: {  	[bflag:$0x0] =	sbarrier.arrive $0xFFFF  }
0xbb: {  	_ =	strace $0x90000047  }
0xbc: {  	s0 =	stileid.u32;
	[bflag:$0x2] =	sbarrier.arrive $0xFFFF  }
0xbd: {  	p0 =	sne.s32 s0, $0x0;
	s0 =	rddreg [dreg:$0x5]  }
0xbe: {  	s0 =	sadd.s32 @!p0 $0x100000, s0  }
0xbf: {  	[sflag:s0] =	ssyncadd.tile.s32 @!p0 $0x1;
	_ =	shalt  }
.Lfunc_end2:
_tile_overlayer_lowered:
.L_overlay_start_2:
0xc0: {  	(tag) =	ssettag $0x2  }
0xc1: {  	s0 =	rddreg [dreg:$0x0];
	s2 =	stileid.u32  }
0xc2: {  	s1 =	rddreg [dreg:$0x1];
	p0 =	sne.s32 s2, $0x0  }
0xc3: {  	s3 =	rddreg [dreg:$0x2];
	[bflag:$0x3] =	sbarrier.arrive $0xFFFF;
	s2 =	simm.s32 @!p0 $0x1C03  }
0xc4: {  	[timem:s3], [sflag:s2] =	dma.local @!p0 [hbm:s0], s1  }
0xc5: {  	s0 =	simm.s32 @!p0 $0x3  }
0xc6: {  	_ =	swait.ge @!p0 [sflag:s0], s1  }
0xc7: {  	s1 =	ssub.s32 @!p0 $0x0, s1;
	[sflag:s0] =	ssyncset.done @!p0 $0x0  }
0xc8: {  	[sflag:s0] =	ssyncadd.s32 @!p0 s1  }
0xc9: {  	[bflag:$0x3] =	sbarrier.arrive $0xFFFF  }
0xca: {  	_ =	shalt  }

// kernel: kernel.9.cloned.1.call-start
scs
__scs_entry_jumppad:
0x0: {  	(pc) =	sbr.rel $0x88, $3  }
0x1: {  	(tag) =	ssettag $0x0;
	lr =	simm.s32 $0x1  }
0x2: {  	[smem:$0x3F97] =	sst lr;
	_ =	strace $0xD0000000  }
0x3: {  	_ = 	snop  }
0x4: {  	_ = 	snop  }
0x5: {  	_ = 	snop  }
0x6: {  	_ = 	snop  }
0x7: {  	_ = 	snop  }
__scs_overlays_trampoline_lowered:
0x8: {  	[smem:$0x3FA6] =	sst s0  }
0x9: {  	[smem:$0x3FA7] =	sst s1  }
0xa: {  	[smem:$0x3FA8] =	sst s2  }
0xb: {  	[smem:$0x3FA9] =	sst s3  }
0xc: {  	[smem:$0x3FAA] =	sst s4  }
0xd: {  	[smem:$0x3FAB] =	sst s5  }
0xe: {  	[smem:$0x3FAC] =	sst s6  }
0xf: {  	[smem:$0x3FAD] =	sst s7  }
0x10: {  	[smem:$0x3FAE] =	sst s8  }
0x11: {  	[smem:$0x3FAF] =	sst s9;
	s0 =	simm.s32 @!p0 $0x0  }
0x12: {  	s1 =	sld [smem:$0x3F95];
	s0 =	simm.s32 @p0 $0x1  }
0x13: {  	[smem:$0x3FB0] =	sst s0;
	s0 =	simm.s32 @!p1 $0x0  }
0x14: {  	s2 =	sld [smem:$0x3F94];
	s0 =	simm.s32 @p1 $0x1  }
0x15: {  	[smem:$0x3FB1] =	sst s0;
	s0 =	simm.s32 @!p2 $0x0  }
0x16: {  	s3 =	sld [smem:$0x3FDB];
	s0 =	simm.s32 @p2 $0x1  }
0x17: {  	s4 =	simm.s32 $0x1BF5;
	[smem:$0x3FB3] =	sst s0  }
0x18: {  	s0 =	sld [smem:$0x3F96];
	_ =	swait.ge [sflag:s4], $0x0  }
0x19: {  	s7 =	sld [smem:$0x3F97]  }
0x1a: {  	s8 =	sadd.s32 $0xFFFFE003, lr  }
0x1b: {  	s9 =	sadd.s32 $0xFFFFFEF7, lr;
	s5 =	simm.s32 $0xFFFFFFFF;
	p2 =	slt.u32 s8, $0xFFFFF086  }
0x1c: {  	p1 =	slt.u32 s9, $0xF7A;
	s5 =	simm.s32 @!p2 $0x0  }
0x1d: {  	s5 =	simm.s32 @p1 $0x1;
	p0 =	seq.s32 s7, s2  }
0x1e: {  	s7 =	smul.u32 @!p0 $0xF7A, s2;
	p2 =	seq.s32 @!p0 s5, $0x0  }
0x1f: {  	s9 =	smul.u32 $0xF7A, s1;
	s8 =	simm.s32 @!p0 $0x1BF5;
	p2 =	por !p2, p0  }
0x20: {  	[sflag:s8] =	ssyncset.s32 @!p0 $0xFFFFF086;
	s6 =	sadd.s32 @!p0 s3, s7;
	s7 =	simm.s32 @!p0 $0x108  }
0x21: {  	s3 =	sadd.s32 s3, s9;
	s6 =	sadd.s32 @!p0 $0x88, s6;
	s7 =	simm.s32 @p2 $0x1082  }
0x22: {  	[simem:s7], [sflag:s8] =	dma.local @!p0 [hbm:s6], $0xF7A  }
0x23: {  	s9 =	sor.u32 $0xD0000000, s2;
	s6 =	simm.s32 $0x108;
	_ =	swait.ge @!p0 [sflag:s8], $0x0  }
0x24: {  	s3 =	sadd.s32 $0x88, s3;
	s6 =	simm.s32 @!p1 $0x1082;
	[sflag:s4] =	ssyncset.s32 $0xFFFFF086  }
0x25: {  	[simem:s6], [sflag:s4] =	dma.local [hbm:s3], $0xF7A  }
0x26: {  	[smem:$0x3F97] =	sst s1;
	(tag) =	ssettag s2;
	_ =	strace s9  }
0x27: {  	s1 =	sld [smem:$0x3FA7]  }
0x28: {  	s2 =	sld [smem:$0x3FA8]  }
0x29: {  	s4 =	sld [smem:$0x3FAA]  }
0x2a: {  	p0 =	seq.s32 s5, $0x0;
	s5 =	sld [smem:$0x3FAB]  }
0x2b: {  	s6 =	sld [smem:$0x3FAC]  }
0x2c: {  	s7 =	sld [smem:$0x3FAD]  }
0x2d: {  	s3 =	simm.s32 $0x108;
	s8 =	sld [smem:$0x3FAE]  }
0x2e: {  	s3 =	simm.s32 @!p0 $0x1082;
	s9 =	sld [smem:$0x3FAF]  }
0x2f: {  	lr =	sadd.s32 s0, s3;
	s0 =	sld [smem:$0x3FA6]  }
0x30: {  	s3 =	sld [smem:$0x3FA9]  }
0x31: {  	[smem:$0x3FB2] =	sst s10  }
0x32: {  	s10 =	sld [smem:$0x3FB0];
	_ =	sdelay $0x3  }
0x33: {  	p0 =	seq.s32 s10, $0x1;
	s10 =	sld [smem:$0x3FB2];
	_ =	sdelay $0x3  }
0x34: {  	[smem:$0x3FB2] =	sst s10  }
0x35: {  	s10 =	sld [smem:$0x3FB1];
	_ =	sdelay $0x3  }
0x36: {  	p1 =	seq.s32 s10, $0x1;
	s10 =	sld [smem:$0x3FB2];
	_ =	sdelay $0x3  }
0x37: {  	[smem:$0x3FB2] =	sst s10  }
0x38: {  	s10 =	sld [smem:$0x3FB3]  }
0x39: {  	_ = 	snop;
	(pc) =	sbr.ind lr, $3  }
0x3a: {  	_ = 	snop  }
0x3b: {  	_ = 	snop  }
0x3c: {  	p2 =	seq.s32 s10, $0x1;
	s10 =	sld [smem:$0x3FB2]  }
0x3d: {  	_ =	shalt  }
0x3e: {  	_ =	shalt  }
0x3f: {  	_ =	shalt  }
0x40: {  	_ =	shalt  }
0x41: {  	_ =	shalt  }
0x42: {  	_ =	shalt  }
0x43: {  	_ =	shalt  }
0x44: {  	_ =	shalt  }
0x45: {  	_ =	shalt  }
0x46: {  	_ =	shalt  }
0x47: {  	_ =	shalt  }
0x48: {  	_ =	shalt  }
0x49: {  	_ =	shalt  }
0x4a: {  	_ =	shalt  }
0x4b: {  	_ =	shalt  }
0x4c: {  	_ =	shalt  }
0x4d: {  	_ =	shalt  }
0x4e: {  	_ =	shalt  }
0x4f: {  	_ =	shalt  }
0x50: {  	_ =	shalt  }
0x51: {  	_ =	shalt  }
0x52: {  	_ =	shalt  }
0x53: {  	_ =	shalt  }
0x54: {  	_ =	shalt  }
0x55: {  	_ =	shalt  }
0x56: {  	_ =	shalt  }
0x57: {  	_ =	shalt  }
0x58: {  	_ =	shalt  }
0x59: {  	_ =	shalt  }
0x5a: {  	_ =	shalt  }
0x5b: {  	_ =	shalt  }
0x5c: {  	_ =	shalt  }
0x5d: {  	_ =	shalt  }
0x5e: {  	_ =	shalt  }
0x5f: {  	_ =	shalt  }
0x60: {  	_ =	shalt  }
0x61: {  	_ =	shalt  }
0x62: {  	_ =	shalt  }
0x63: {  	_ =	shalt  }
0x64: {  	_ =	shalt  }
0x65: {  	_ =	shalt  }
0x66: {  	_ =	shalt  }
0x67: {  	_ =	shalt  }
0x68: {  	_ =	shalt  }
0x69: {  	_ =	shalt  }
0x6a: {  	_ =	shalt  }
0x6b: {  	_ =	shalt  }
0x6c: {  	_ =	shalt  }
0x6d: {  	_ =	shalt  }
0x6e: {  	_ =	shalt  }
0x6f: {  	_ =	shalt  }
0x70: {  	_ =	shalt  }
0x71: {  	_ =	shalt  }
0x72: {  	_ =	shalt  }
0x73: {  	_ =	shalt  }
0x74: {  	_ =	shalt  }
0x75: {  	_ =	shalt  }
0x76: {  	_ =	shalt  }
0x77: {  	_ =	shalt  }
0x78: {  	_ =	shalt  }
0x79: {  	_ =	shalt  }
0x7a: {  	_ =	shalt  }
0x7b: {  	_ =	shalt  }
0x7c: {  	_ =	shalt  }
0x7d: {  	_ =	shalt  }
0x7e: {  	_ =	shalt  }
0x7f: {  	_ =	shalt  }
0x80: {  	_ =	shalt  }
0x81: {  	_ =	shalt  }
0x82: {  	_ =	shalt  }
0x83: {  	_ =	shalt  }
0x84: {  	_ =	shalt  }
0x85: {  	_ =	shalt  }
0x86: {  	_ =	shalt  }
0x87: {  	_ =	shalt  }
.Lfunc_end0:
.L_simem_size_0:
called_computation.1_lowered:
.L_overlay_start_0:
0x88: {  	s2 =	sld [smem:$0x3FD9]  }
0x89: {  	s3 =	sld [smem:$0x3FFE];
	_ =	sdelay $0x1  }
0x8a: {  	s1 =	srdreg.scid  }
0x8b: {  	s0 =	sand.u32 $0x1, s1  }
0x8c: {  	s17 =	sshll.u32 s0, $0xA;
	s2 =	sadd.s32 s3, s2  }
0x8d: {  	s2 =	sadd.s32 s2, s17  }
0x8e: {  	[smem:$0x3FBE] =	sst s2  }
0x8f: {  	_ = 	snop  }
0x90: {  	s2 =	sld [smem:$0x3FD0];
	(tm) =	ssettm $0x1  }
0x91: {  	s18 =	sld [smem:$0x3FFB];
	_ =	sdelay $0x3  }
0x92: {  	_ =	strace s18  }
0x93: {  	s3 =	sld [smem:$0x3FFC];
	_ =	sdelay $0x3  }
0x94: {  	_ =	strace s3  }
0x95: {  	s3 =	sld [smem:$0x3FFD];
	_ =	sdelay $0x3  }
0x96: {  	_ =	strace s3  }
0x97: {  	_ =	strace $0x8FFFFFFF  }
0x98: {  	s19 =	sld [smem:$0x3FDB];
	_ =	sdelay $0x1  }
0x99: {  	s4 =	simm.s32 $_scs_section_size  }
0x9a: {  	s5 =	simm.s32 $_size__tile_overlayer_lowered;
	s6 =	simm.s32 $_tile_overlayer_lowered  }
0x9b: {  	s22 =	simm.s32 $0x1BFF;
	s21 =	sshll.u32 s6, $0x1;
	s3 =	sadd.s32 s4, s19  }
0x9c: {  	s7 =	simm.s32 $0x0;
	s20 =	sshll.u32 s5, $0x1;
	s5 =	sadd.s32 s21, s3  }
0x9d: {  	[timem:s7], [sflag:s22] =	dma.local [hbm:s5], s20  }
0x9e: {  	_ =	swait.ge [sflag:s22], s20  }
0x9f: {  	s4 =	ssub.s32 $0x0, s20;
	[sflag:s22] =	ssyncset.done $0x0  }
0xa0: {  	[sflag:s22] =	ssyncadd.s32 s4;
	_ =	sdelay $0x1  }
0xa1: {  	s23 =	simm.s32 $0x1B8B  }
0xa2: {  	_ =	swait.ge [sflag:s23], $0x1  }
0xa3: {  	[sflag:s23] =	ssyncset.done $0x0  }
0xa4: {  	s25 =	simm.s32 $0x1B8E;
	s24 =	sld [smem:$0x3FFE];
	[sflag:s23] =	ssyncadd.s32 $0xFFFFFFFF  }
0xa5: {  	s26 =	simm.s32 $execute0_lowered;
	[smem:$0x3FD2] =	sst s25  }
0xa6: {  	s5 =	sshll.u32 s26, $0x1;
	_ =	strace $0x80000049;
	[dreg:$0x1] =	wrdreg $0xFFFFFFFF  }
0xa7: {  	s28 =	simm.s32 $_size_execute0_lowered;
	s3 =	sadd.s32 s3, s5;
	[dreg:$0x0] =	wrdreg $0x0  }
0xa8: {  	s5 =	sshll.u32 s28, $0x1;
	[dreg:$0x2] =	wrdreg s3  }
0xa9: {  	[dreg:$0x3] =	wrdreg s5  }
0xaa: {  	[dreg:$0x4] =	wrdreg $0xC0  }
0xab: {  	_ =	task [dreg:s7], $0x5FFFF  }
0xac: {  	[dreg:$0x1] =	wrdreg $0xFFFFFFFF  }
0xad: {  	[dreg:$0x0] =	wrdreg $0x60  }
0xae: {  	[dreg:$0x2] =	wrdreg s24  }
0xaf: {  	[dreg:$0x3] =	wrdreg s2  }
0xb0: {  	[dreg:$0x4] =	wrdreg $0x0  }
0xb1: {  	[dreg:$0x5] =	wrdreg $0x9  }
0xb2: {  	_ =	task.clear_ibuf [dreg:s7], $0x6FFFF;
	_ =	strace $0x90000049  }
0xb3: {  	s29 =	simm.s32 $0x9;
	_ =	strace $0x8000004B  }
0xb4: {  	_ =	swait.ge [sflag:s29], $0x1  }
0xb5: {  	[sflag:s29] =	ssyncadd.s32 $0xFFFFFFFF  }
0xb6: {  	_ =	strace $0x9000004B  }
0xb7: {  	_ =	sfence  }
0xb8: {  	s30 =	sld [smem:$0x0];
	_ =	sdelay $0x2  }
0xb9: {  	s31 =	sshll.u32 s1, $0xD;
	s1 =	sshrl.u32 s1, $0x2  }
0xba: {  	s3 =	sand.u32 $0x4000, s31;
	s1 =	sadd.s32 s1, s30  }
0xbb: {  	s0 =	sor.u32 s3, s0;
	s1 =	sshll.u32 s1, $0x11  }
0xbc: {  	s0 =	sor.u32 s1, s0  }
0xbd: {  	s0 =	sadd.s32 $0x8F2B, s0  }
0xbe: {  	[sflag:s0] =	ssyncadd.remote.s32 $0x1  }
0xbf: {  	_ =	sfence.sel $0xFFFF  }
0xc0: {  	[dreg:$0x0] =	wrdreg $0xFFFFFFFF;
	(pc) =	sbr.abs _section_cstart, $3  }
0xc1: {  	[dreg:$0x1] =	wrdreg $0xFFFFFFFF  }
0xc2: {  	_ =	task.clear_ibuf [dreg:s7], $0x2FFFF;
	_ =	strace $0x9FFFFFFF  }
0xc3: {  	(tm) =	ssettm $0x7FFFFFFF  }
tec
execute0_lowered:
.L_overlay_start_1:
0x0: {  	(tag) =	ssettag $0x1  }
0x1: {  	s5 =	rddreg [dreg:$0x0]  }
0x2: {  	s6 =	rddreg [dreg:$0x1]  }
0x3: {  	s2 =	rddreg [dreg:$0x2]  }
0x4: {  	s0 =	rddreg [dreg:$0x3];
	s4 =	srdreg.scid  }
0x5: {  	s3 =	simm.s32 $0x0;
	s1 =	stileid.u32;
	s13 =	simm.s32 $0x50  }
0x6: {  	s14 =	simm.s32 $0x18F00;
	s15 =	simm.s32 $0x14050;
	s16 =	simm.s32 $0x1B700  }
0x7: {  	s17 =	simm.s32 $0x1DF00;
	s18 =	simm.s32 $0x1;
	s19 =	simm.s32 $0x2  }
0x8: {  	s20 =	simm.s32 $0x4;
	s21 =	simm.s32 $0x0;
	s8 =	smul.u32 $0x2800, s1  }
0x9: {  	s7 =	sand.u32 $0x1, s4;
	[smem:$0x7FF] =	sst s3;
	s11 =	smul.u32 $0x50000, s1  }
0xa: {  	s4 =	sshll.u32 s7, $0x4;
	_ =	strace $0x8000004A;
	s10 =	smul.u32 $0x28000, s7  }
0xb: {  	s7 =	ssub.s32 $0x2, s7;
	s9 =	sor.u32 s1, s4;
	s4 =	sadd.s32 $0xC800, s5  }
0xc: {  	s30 =	sshrl.u32 s7, $0x1;
	s31 =	sshrl.u32 s11, $0x2;
	s9 =	smul.u32 $0x4E2, s9  }
0xd: {  	s11 =	simm.s32 $0x3;
	s8 =	sadd.s32 s8, s10;
	s10 =	ssub.s32 s7, s30  }
0xe: {  	s7 =	sadd.s32 s31, s2;
	s8 =	sadd.s32 s8, s5;
	s12 =	sadd.s32 s9, s5  }
0xf: {  	s6 =	sadd.s32 s6, s9;
	s8 =	sadd.s32 $0x34800, s8;
	s9 =	smax.u32 s10, $0x1  }
0x10: {  	v0 =	vimm.f32 $0.0e+00;
	s10 =	simm.s32 $0x14000;
	s5 =	sadd.s32 $0x2A00, s12;
	s12 =	simm.s32 $0x16780  }
.LBB2_1:
0x11: {  	[tilespmem:s10], [sflag:$0x3] =	stream.linear.gather [hbm4b:s5+s3], $0x2710, $0x38;
	[tilespmem:$0x1E700] =	vst v63  }
0x12: {  	_ =	swait.ge [sflag:s11], $0x2710  }
0x13: {  	[sflag:s11] =	ssyncset.done $0x0  }
0x14: {  	[sflag:s11] =	ssyncadd.s32 $0xFFFFD8F0  }
0x15: {  	[tilespmem:s12], [sflag:$0x3] =	stream.linear.gather [hbm4b:s6+s3], $0x2710, $0x38;
	[tilespmem:$0x1E700] =	vst v63  }
0x16: {  	_ =	swait.ge [sflag:s11], $0x2710  }
0x17: {  	[sflag:s11] =	ssyncset.done $0x0  }
0x18: {  	[sflag:s11] =	ssyncadd.s32 $0xFFFFD8F0  }
0x19: {  	[tilespmem:s14], [sflag:$0x1] =	stream.indirect.gather [hbm4b:s4+s13], $0x80, s10, s13, $0xb8;
	[tilespmem:$0x1E700] =	vst v63  }
0x1a: {  	s22 =	simm.s32 $0x0;
	s23 =	simm.s32 $0x0  }
0x1b: {  	[tilespmem:s16], [sflag:$0x2] =	stream.indirect.gather [hbm4b:s4+s13], $0x80, s15, s13, $0xb8;
	[tilespmem:$0x1E700] =	vst v63  }
.LBB2_2:
0x1c: {  	p0 =	sne.s32 s23, $0x1FC0  }
.Ltmp0:
0x1d: {  	_ = 	snop;
	(pc) =	sbr.rel @p0 .LBB2_2-.Ltmp0, $4  }
0x1e: {  	s24 =	sand.u32 $0x1E00, s23  }
0x1f: {  	s25 =	sand.u32 $0x70, s22;
	s24 =	sshrl.u32 s24, $0x2  }
0x20: {  	s24 =	sor.u32 s25, s24  }
0x21: {  	s22 =	sadd.s32 $0x10, s22;
	s23 =	sadd.s32 $0x40, s23;
	[tilespmem:s24+$0x1DF00] =	vst v0  }
0x22: {  	s22 =	sadd.s32 $0x0, s7  }
0x23: {  	[spmem:s22] =	stream.linear.scatter [tilespmem:s17], [sflag:$0x3], $0x800, $0x38;
	[tilespmem:$0x1E700] =	vst v63  }
0x24: {  	s22 =	simm.s32 $0x2000;
	_ =	swait.ge [sflag:s11], $0x800  }
.LBB2_4:
0x25: {  	s23 =	sshra.s32 s22, $0x2;
	[sflag:s11] =	ssyncset.done $0x0;
	p0 =	sne.s32 s22, $0x4E000  }
.Ltmp1:
0x26: {  	s23 =	sadd.s32 s23, s7;
	[sflag:s11] =	ssyncadd.s32 $0xFFFFF800;
	(pc) =	sbr.rel @p0 .LBB2_4-.Ltmp1, $3  }
0x27: {  	[spmem:s23] =	stream.linear.scatter [tilespmem:s17], [sflag:$0x3], $0x800, $0x38;
	[tilespmem:$0x1E700] =	vst v63  }
0x28: {  	s22 =	sadd.s32 $0x2000, s22;
	_ =	sdelay $0x1  }
0x29: {  	_ =	swait.ge [sflag:s11], $0x800  }
0x2a: {  	[sflag:s11] =	ssyncset.done $0x0  }
0x2b: {  	[sflag:s11] =	ssyncadd.s32 $0xFFFFF800  }
0x2c: {  	[bflag:$0x0] =	sbarrier.arrive $0xFFFF  }
0x2d: {  	_ =	swait.ge [sflag:s18], $0x2800  }
0x2e: {  	[sflag:s18] =	ssyncset.done $0x0  }
0x2f: {  	[sflag:s18] =	ssyncadd.s32 $0xFFFFD800  }
0x30: {  	[spmem:s2] =	stream.indirect.scatter.add.f32 [tilespmem:s14], [sflag:$0x3], $0x80, s12, s13, $0xb8;
	[tilespmem:$0x1E700] =	vst v63  }
0x31: {  	_ =	swait.ge [sflag:s11], $0x2800  }
0x32: {  	[sflag:s11] =	ssyncset.done $0x0  }
0x33: {  	s22 =	simm.s32 $0x140A0;
	[sflag:s11] =	ssyncadd.s32 $0xFFFFD800  }
0x34: {  	[tilespmem:s14], [sflag:$0x1] =	stream.indirect.gather [hbm4b:s4+s13], $0x80, s22, s13, $0xb8;
	[tilespmem:$0x1E700] =	vst v63  }
0x35: {  	_ =	swait.ge [sflag:s19], $0x2800  }
0x36: {  	[sflag:s19] =	ssyncset.done $0x0  }
0x37: {  	s29 =	simm.s32 $0x167D0;
	[sflag:s19] =	ssyncadd.s32 $0xFFFFD800  }
0x38: {  	[spmem:s2] =	stream.indirect.scatter.add.f32 [tilespmem:s16], [sflag:$0x4], $0x80, s29, s13, $0xb8;
	[tilespmem:$0x1E700] =	vst v63  }
0x39: {  	_ =	swait.ge [sflag:s20], $0x2800  }
0x3a: {  	[sflag:s20] =	ssyncset.done $0x0  }
0x3b: {  	s30 =	simm.s32 $0x140F0;
	[sflag:s20] =	ssyncadd.s32 $0xFFFFD800  }
0x3c: {  	[tilespmem:s16], [sflag:$0x2] =	stream.indirect.gather [hbm4b:s4+s13], $0x80, s30, s13, $0xb8;
	[tilespmem:$0x1E700] =	vst v63  }
0x3d: {  	_ =	swait.ge [sflag:s18], $0x2800  }
0x3e: {  	[sflag:s18] =	ssyncset.done $0x0  }
0x3f: {  	s31 =	simm.s32 $0x16820;
	[sflag:s18] =	ssyncadd.s32 $0xFFFFD800  }
0x40: {  	[spmem:s2] =	stream.indirect.scatter.add.f32 [tilespmem:s14], [sflag:$0x3], $0x80, s31, s13, $0xb8;
	[tilespmem:$0x1E700] =	vst v63  }
0x41: {  	_ =	swait.ge [sflag:s11], $0x2800  }
0x42: {  	s23 =	simm.s32 $0xFFFFDA80;
	s22 =	simm.s32 $0xFFFF6C80;
	[sflag:s11] =	ssyncset.done $0x0  }
.LBB2_6:
0x43: {  	s24 =	sadd.s32 $0x166C0, s23  }
0x44: {  	[sflag:s11] =	ssyncadd.s32 $0xFFFFD800;
	s25 =	smov.u32 s22;
	s22 =	sadd.s32 $0x280, s22  }
0x45: {  	[tilespmem:s14], [sflag:$0x1] =	stream.indirect.gather [hbm4b:s4+s13], $0x80, s24, s13, $0xb8;
	[tilespmem:$0x1E700] =	vst v63  }
0x46: {  	p0 =	sne.s32 s22, $0x0;
	_ =	swait.ge [sflag:s19], $0x2800  }
0x47: {  	[sflag:s19] =	ssyncset.done $0x0  }
0x48: {  	s24 =	sadd.s32 $0x18DF0, s23;
	[sflag:s19] =	ssyncadd.s32 $0xFFFFD800  }
0x49: {  	[spmem:s2] =	stream.indirect.scatter.add.f32 [tilespmem:s16], [sflag:$0x4], $0x80, s24, s13, $0xb8;
	[tilespmem:$0x1E700] =	vst v63  }
0x4a: {  	_ =	swait.ge [sflag:s20], $0x2800  }
0x4b: {  	[sflag:s20] =	ssyncset.done $0x0  }
0x4c: {  	s24 =	sadd.s32 $0x16710, s23;
	[sflag:s20] =	ssyncadd.s32 $0xFFFFD800  }
0x4d: {  	[tilespmem:s16], [sflag:$0x2] =	stream.indirect.gather [hbm4b:s4+s13], $0x80, s24, s13, $0xb8;
	[tilespmem:$0x1E700] =	vst v63  }
0x4e: {  	_ =	swait.ge [sflag:s18], $0x2800  }
.Ltmp2:
0x4f: {  	[sflag:s18] =	ssyncset.done $0x0;
	(pc) =	sbr.rel @p0 .LBB2_6-.Ltmp2, $4  }
0x50: {  	s23 =	sadd.s32 $0x18E40, s23;
	[sflag:s18] =	ssyncadd.s32 $0xFFFFD800  }
0x51: {  	[spmem:s2] =	stream.indirect.scatter.add.f32 [tilespmem:s14], [sflag:$0x3], $0x80, s23, s13, $0xb8;
	[tilespmem:$0x1E700] =	vst v63  }
0x52: {  	_ =	swait.ge [sflag:s11], $0x2800  }
0x53: {  	s23 =	sshra.s32 s25, $0x2;
	[sflag:s11] =	ssyncset.done $0x0  }
0x54: {  	s24 =	sadd.s32 $0x166C0, s23;
	[sflag:s11] =	ssyncadd.s32 $0xFFFFD800  }
0x55: {  	[tilespmem:s14], [sflag:$0x1] =	stream.indirect.gather [hbm4b:s4+s13], $0x80, s24, s13, $0xb8;
	[tilespmem:$0x1E700] =	vst v63  }
0x56: {  	_ =	swait.ge [sflag:s19], $0x2800  }
0x57: {  	[sflag:s19] =	ssyncset.done $0x0  }
0x58: {  	s31 =	sadd.s32 $0x18DF0, s23;
	[sflag:s19] =	ssyncadd.s32 $0xFFFFD800  }
0x59: {  	[spmem:s2] =	stream.indirect.scatter.add.f32 [tilespmem:s16], [sflag:$0x4], $0x80, s31, s13, $0xb8;
	[tilespmem:$0x1E700] =	vst v63  }
0x5a: {  	_ =	swait.ge [sflag:s20], $0x2800  }
0x5b: {  	[sflag:s20] =	ssyncset.done $0x0  }
0x5c: {  	s25 =	sadd.s32 $0x16710, s23;
	[sflag:s20] =	ssyncadd.s32 $0xFFFFD800  }
0x5d: {  	[tilespmem:s16], [sflag:$0x2] =	stream.indirect.gather [hbm4b:s4+s13], $0x80, s25, s13, $0xb8;
	[tilespmem:$0x1E700] =	vst v63  }
0x5e: {  	_ =	swait.ge [sflag:s18], $0x2800  }
0x5f: {  	[sflag:s18] =	ssyncset.done $0x0  }
0x60: {  	s26 =	sadd.s32 $0x18E40, s23;
	[sflag:s18] =	ssyncadd.s32 $0xFFFFD800  }
0x61: {  	[spmem:s2] =	stream.indirect.scatter.add.f32 [tilespmem:s14], [sflag:$0x3], $0x80, s26, s13, $0xb8;
	[tilespmem:$0x1E700] =	vst v63  }
0x62: {  	_ =	swait.ge [sflag:s11], $0x2800  }
0x63: {  	s22 =	sshra.s32 s22, $0x2;
	[sflag:s11] =	ssyncset.done $0x0  }
0x64: {  	s28 =	sadd.s32 $0x166C0, s22;
	[sflag:s11] =	ssyncadd.s32 $0xFFFFD800  }
0x65: {  	[tilespmem:s14], [sflag:$0x1] =	stream.indirect.gather [hbm4b:s4+s13], $0x80, s28, s13, $0xb8;
	[tilespmem:$0x1E700] =	vst v63  }
0x66: {  	_ =	swait.ge [sflag:s19], $0x2800  }
0x67: {  	[sflag:s19] =	ssyncset.done $0x0  }
0x68: {  	s29 =	sadd.s32 $0x18DF0, s22;
	[sflag:s19] =	ssyncadd.s32 $0xFFFFD800  }
0x69: {  	[spmem:s2] =	stream.indirect.scatter.add.f32 [tilespmem:s16], [sflag:$0x4], $0x80, s29, s13, $0xb8;
	[tilespmem:$0x1E700] =	vst v63  }
0x6a: {  	_ =	swait.ge [sflag:s20], $0x2800  }
0x6b: {  	[sflag:s20] =	ssyncset.done $0x0  }
0x6c: {  	[sflag:s20] =	ssyncadd.s32 $0xFFFFD800  }
0x6d: {  	_ =	swait.ge [sflag:s18], $0x2800  }
0x6e: {  	[sflag:s18] =	ssyncset.done $0x0  }
0x6f: {  	s22 =	sadd.s32 $0x18E40, s22;
	[sflag:s18] =	ssyncadd.s32 $0xFFFFD800  }
0x70: {  	[spmem:s2] =	stream.indirect.scatter.add.f32 [tilespmem:s14], [sflag:$0x3], $0x80, s22, s13, $0xb8;
	[tilespmem:$0x1E700] =	vst v63  }
0x71: {  	_ =	swait.ge [sflag:s11], $0x2800  }
0x72: {  	s30 =	sshll.u32 s1, $0x6;
	s21 =	sadd.s32 $0x1, s21;
	[sflag:s11] =	ssyncset.done $0x0  }
0x73: {  	p0 =	sne.s32 s21, s9;
	s31 =	sshrl.u32 s7, $0x3;
	[sflag:s11] =	ssyncadd.s32 $0xFFFFD800  }
.Ltmp3:
0x74: {  	s22 =	sor.u32 $0x1C03, s30;
	[bflag:$0x0] =	sbarrier.arrive $0xFFFF;
	(pc) =	sbr.rel @p0 .LBB2_1-.Ltmp3, $4  }
0x75: {  	[hbm:s8], [sflag:s22] =	dma.local [spmem:s31], $0x2800  }
0x76: {  	_ =	swait.ge [sflag:s11], $0x2800  }
0x77: {  	[sflag:s11] =	ssyncset.done $0x0  }
0x78: {  	[sflag:s11] =	ssyncadd.s32 $0xFFFFD800  }
0x79: {  	_ =	sfence.sel $0x180000  }
0x7a: {  	[bflag:$0x0] =	sbarrier.arrive $0xFFFF  }
0x7b: {  	p0 =	sne.s32 s1, $0x0;
	_ =	strace $0x9000004A  }
0x7c: {  	s0 =	sadd.s32 @!p0 $0x100000, s0;
	[bflag:$0x2] =	sbarrier.arrive $0xFFFF  }
0x7d: {  	[sflag:s0] =	ssyncadd.tile.s32 @!p0 $0x1;
	_ =	shalt  }
.Lfunc_end2:
_tile_overlayer_lowered:
.L_overlay_start_2:
0x7e: {  	(tag) =	ssettag $0x2  }
0x7f: {  	s0 =	rddreg [dreg:$0x0];
	s2 =	stileid.u32  }
0x80: {  	s1 =	rddreg [dreg:$0x1];
	p0 =	sne.s32 s2, $0x0  }
0x81: {  	s3 =	rddreg [dreg:$0x2];
	[bflag:$0x3] =	sbarrier.arrive $0xFFFF;
	s2 =	simm.s32 @!p0 $0x1C03  }
0x82: {  	[timem:s3], [sflag:s2] =	dma.local @!p0 [hbm:s0], s1  }
0x83: {  	s0 =	simm.s32 @!p0 $0x3  }
0x84: {  	_ =	swait.ge @!p0 [sflag:s0], s1  }
0x85: {  	s1 =	ssub.s32 @!p0 $0x0, s1;
	[sflag:s0] =	ssyncset.done @!p0 $0x0  }
0x86: {  	[sflag:s0] =	ssyncadd.s32 @!p0 s1  }
0x87: {  	[bflag:$0x3] =	sbarrier.arrive $0xFFFF  }
0x88: {  	_ =	shalt  }

</sc_bundles>
